<compile_context>
chip_gen: v7x
topology: tpu7x:2x2x1
jax: 0.10.2.dev20260603
libtpu: 0.0.44.dev20260713+nightly
codegen_flags: <defaults>
</compile_context>

<pallas_src>
import functools

import jax
import jax.numpy as jnp
from jax import lax
from jax.experimental import pallas as pl
from jax.experimental.pallas import tpu as pltpu
from jax.experimental.pallas import tpu_sc as plsc

_DIM = 4096
_BATCH = 16384
_NC = 2
_NS = 16
_L = 16
_NW = _NC * _NS
_NBAND = _BATCH // 8
_BPW = _NBAND // _NW
_BSZ = 8 * _DIM
_HSZ = _BSZ // 2

_mesh = plsc.VectorSubcoreMesh(core_axis_name="c", subcore_axis_name="s")


@functools.partial(
    pl.kernel,
    mesh=_mesh,
    out_type=jax.ShapeDtypeStruct((_BATCH * _DIM,), jnp.float32),
    scratch_types=[
        pltpu.VMEM((_DIM,), jnp.int32),
        pltpu.VMEM((_BSZ,), jnp.float32),
        pltpu.VMEM((_BSZ,), jnp.float32),
        pltpu.VMEM((_HSZ,), jnp.float32),
        pltpu.VMEM((_HSZ,), jnp.float32),
        pltpu.SemaphoreType.DMA((2,)),
        pltpu.SemaphoreType.DMA((2,)),
    ],
    compiler_params=pltpu.CompilerParams(needs_layout_passes=False),
)
def _permute(x_hbm, perm_hbm, out_hbm, perm_v, in0, in1, out0, out1,
             in_sem, out_sem):
    ins = (in0, in1)
    outs = (out0, out1)
    wid = lax.axis_index("s") * _NC + lax.axis_index("c")
    base = wid * _BPW * _BSZ
    pltpu.sync_copy(perm_hbm, perm_v)

    pltpu.async_copy(x_hbm.at[pl.ds(base, _BSZ)], in0, in_sem.at[0])

    def pair_body(p, carry):
        for b in range(2):
            g = p * 2 + b

            @pl.when(g + 1 < _BPW)
            def _():
                pltpu.async_copy(
                    x_hbm.at[pl.ds(base + (g + 1) * _BSZ, _BSZ)],
                    ins[1 - b], in_sem.at[1 - b])

            pltpu.make_async_copy(
                x_hbm.at[pl.ds(0, _BSZ)], ins[b], in_sem.at[b]).wait()

            in_ref = ins[b]
            for h in range(2):
                out_ref = outs[h]

                @pl.when(g >= 1)
                def _():
                    pltpu.make_async_copy(
                        out_ref, out_hbm.at[pl.ds(0, _HSZ)],
                        out_sem.at[h]).wait()

                @plsc.parallel_loop(h * (_DIM // 2), (h + 1) * (_DIM // 2),
                                    step=_L, unroll=4)
                def jbody(j):
                    idx = perm_v[pl.ds(j, _L)]
                    t = ((idx >> 7) << 10) + (idx & 127)
                    dst = (((j >> 7) << 10) + (j & 127)) - h * _HSZ
                    for r in range(8):
                        out_ref[pl.ds(dst + r * 128, _L)] = plsc.load_gather(
                            in_ref, [t + (r * 128)])

                pltpu.async_copy(
                    out_ref,
                    out_hbm.at[pl.ds(base + g * _BSZ + h * _HSZ, _HSZ)],
                    out_sem.at[h])
        return carry

    lax.fori_loop(0, _BPW // 2, pair_body, 0)

    for h in range(2):
        pltpu.make_async_copy(
            outs[h], out_hbm.at[pl.ds(0, _HSZ)], out_sem.at[h]).wait()


def kernel(x, perm):
    x_t = x.reshape(_NBAND, 8, _DIM // 128, 128).transpose(0, 2, 1, 3)
    z_t = _permute(x_t.reshape(-1), perm.astype(jnp.int32))
    z = z_t.reshape(_NBAND, _DIM // 128, 8, 128).transpose(0, 2, 1, 3)
    logdet = jnp.zeros((x.shape[0],), dtype=x.dtype)
    return (z.reshape(_BATCH, _DIM), logdet)

# --- scband reference (transcript-rebuilt; emitter-appended) ---
"""Pipeline reference for scband-random-permutation-87488483819855 (READ-ONLY COPY).

The authoritative reference and input builder live on the scoring server;
editing this copy changes nothing except your own understanding.
"""

import jax, jax.numpy as jnp
import numpy as np

DIM = 4096
BATCH = 16384

def setup_inputs(seed: int = 0) -> dict:
    key = jax.random.key(seed)
    kx, kp = jax.random.split(key)
    x = jax.random.normal(kx, (BATCH, DIM), dtype=jnp.float32)
    perm = jax.random.permutation(kp, DIM)  # int buffer, equivalent to torch.randperm(dim)
    return {"x": x, "perm": perm}

def reference(x, perm):
    # forward: gather columns of x by perm, plus zero log-det term
    z = jnp.take(x, perm, axis=1)
    logdet = jnp.zeros((x.shape[0],), dtype=x.dtype)
    return (z, logdet)

if __name__ == "__main__":
    import jax
    _d = setup_inputs()
    print(jax.jit(kernel)(*tuple(_d.values())))

</pallas_src>

<mosaic_0001>
#map = affine_map<(d0, d1) -> (0)>
module attributes {stable_mosaic.version = 14 : i64} {
  func.func @_permute(%arg0: i32, %arg1: i32, %arg2: memref<67108864xf32, #tpu.memory_space<hbm>>, %arg3: memref<4096xi32, #tpu.memory_space<hbm>>, %arg4: memref<67108864xf32, #tpu.memory_space<hbm>>, %arg5: memref<4096xi32, #tpu.memory_space<vmem>>, %arg6: memref<32768xf32, #tpu.memory_space<vmem>>, %arg7: memref<32768xf32, #tpu.memory_space<vmem>>, %arg8: memref<16384xf32, #tpu.memory_space<vmem>>, %arg9: memref<16384xf32, #tpu.memory_space<vmem>>, %arg10: memref<2x!tpu.dma_semaphore, #tpu.memory_space<semaphore_mem>>, %arg11: memref<2x!tpu.dma_semaphore, #tpu.memory_space<semaphore_mem>>) attributes {dimension_semantics = [#tpu.dimension_semantics<core_parallel>, #tpu.dimension_semantics<subcore_parallel>], iteration_bounds = array<i64: 2, 16>, scalar_prefetch = 0 : i64, scratch_operands = 7 : i64, tpu.core_type = #tpu.core_type<sc_vector_subcore>, window_params = [{transform_indices = #map}, {transform_indices = #map}, {transform_indices = #map}]} {
    %mul3A = arith.constant 2 : i32
    %mul3A_0 = arith.muli %arg1, %mul3A : i32
    %add3A = arith.addi %mul3A_0, %arg0 : i32
    %mul3A_1 = arith.constant 64 : i32
    %mul3A_2 = arith.muli %add3A, %mul3A_1 : i32
    %mul3A_3 = arith.constant 32768 : i32
    %mul3A_4 = arith.muli %mul3A_2, %mul3A_3 : i32
    "tpu.region"() ({
      %run_scoped3A = tpu.sem_alloc : memref<!tpu.dma_semaphore, #tpu.memory_space<semaphore_mem>>
      tpu.enqueue_dma source(%arg3 : memref<4096xi32, #tpu.memory_space<hbm>>) target(%arg5 : memref<4096xi32, #tpu.memory_space<vmem>>) target_semaphore(%run_scoped3A : memref<!tpu.dma_semaphore, #tpu.memory_space<semaphore_mem>>)
      tpu.wait_dma2 semaphore(%run_scoped3A : memref<!tpu.dma_semaphore, #tpu.memory_space<semaphore_mem>>) src(%arg3 : memref<4096xi32, #tpu.memory_space<hbm>>) dst(%arg5 : memref<4096xi32, #tpu.memory_space<vmem>>)
      tpu.yield
    }) : () -> ()
    %dma_start3A = arith.constant 0 : i32
    %dma_start3A_5 = tpu.memref_slice %arg2[%mul3A_4] : memref<67108864xf32, #tpu.memory_space<hbm>> -> memref<32768xf32, #tpu.memory_space<hbm>>
    %dma_start3A_6 = tpu.memref_slice %arg10[%dma_start3A] : memref<2x!tpu.dma_semaphore, #tpu.memory_space<semaphore_mem>> -> memref<1x!tpu.dma_semaphore, #tpu.memory_space<semaphore_mem>>
    %dma_start3A_7 = tpu.memref_squeeze %dma_start3A_6 : memref<1x!tpu.dma_semaphore, #tpu.memory_space<semaphore_mem>> -> memref<!tpu.dma_semaphore, #tpu.memory_space<semaphore_mem>>
    %dma_start3A_8 = tpu.memref_slice %arg2[%mul3A_4] : memref<67108864xf32, #tpu.memory_space<hbm>> -> memref<32768xf32, #tpu.memory_space<hbm>>
    tpu.enqueue_dma source(%dma_start3A_8 : memref<32768xf32, #tpu.memory_space<hbm>>) target(%arg6 : memref<32768xf32, #tpu.memory_space<vmem>>) target_semaphore(%dma_start3A_7 : memref<!tpu.dma_semaphore, #tpu.memory_space<semaphore_mem>>)
    %scan3A = arith.constant 0 : i32
    %scan3A_9 = arith.constant 0 : i32
    %scan3A_10 = arith.constant 32 : i32
    %scan3A_11 = arith.addi %scan3A_9, %scan3A_10 : i32
    %scan3A_12 = arith.constant 1 : i32
    scf.for %scan3A_27 = %scan3A_9 to %scan3A_11 step %scan3A_12  : i32 {
      %mul3A_28 = arith.constant 2 : i32
      %mul3A_29 = arith.muli %scan3A_27, %mul3A_28 : i32
      %add3A_30 = arith.constant 0 : i32
      %add3A_31 = arith.addi %mul3A_29, %add3A_30 : i32
      %add3A_32 = arith.constant 1 : i32
      %add3A_33 = arith.addi %add3A_31, %add3A_32 : i32
      %lt3A = arith.constant 64 : i32
      %lt3A_34 = arith.cmpi slt, %add3A_33, %lt3A : i32
      %convert_element_type3A = arith.extui %lt3A_34 : i1 to i32
      %cond3A = arith.constant 0 : i32
      %cond3A_35 = arith.cmpi ne, %convert_element_type3A, %cond3A : i32
      scf.if %cond3A_35 {
        %add3A_131 = arith.constant 1 : i32
        %add3A_132 = arith.addi %add3A_31, %add3A_131 : i32
        %mul3A_133 = arith.constant 32768 : i32
        %mul3A_134 = arith.muli %add3A_132, %mul3A_133 : i32
        %add3A_135 = arith.addi %mul3A_4, %mul3A_134 : i32
        %dma_start3A_136 = arith.constant 1 : i32
        %dma_start3A_137 = tpu.memref_slice %arg2[%add3A_135] : memref<67108864xf32, #tpu.memory_space<hbm>> -> memref<32768xf32, #tpu.memory_space<hbm>>
        %dma_start3A_138 = tpu.memref_slice %arg10[%dma_start3A_136] : memref<2x!tpu.dma_semaphore, #tpu.memory_space<semaphore_mem>> -> memref<1x!tpu.dma_semaphore, #tpu.memory_space<semaphore_mem>>
        %dma_start3A_139 = tpu.memref_squeeze %dma_start3A_138 : memref<1x!tpu.dma_semaphore, #tpu.memory_space<semaphore_mem>> -> memref<!tpu.dma_semaphore, #tpu.memory_space<semaphore_mem>>
        %dma_start3A_140 = tpu.memref_slice %arg2[%add3A_135] : memref<67108864xf32, #tpu.memory_space<hbm>> -> memref<32768xf32, #tpu.memory_space<hbm>>
        tpu.enqueue_dma source(%dma_start3A_140 : memref<32768xf32, #tpu.memory_space<hbm>>) target(%arg7 : memref<32768xf32, #tpu.memory_space<vmem>>) target_semaphore(%dma_start3A_139 : memref<!tpu.dma_semaphore, #tpu.memory_space<semaphore_mem>>)
      } else {
      }
      %dma_wait3A_36 = arith.constant 0 : i32
      %dma_wait3A_37 = arith.constant 0 : i32
      %dma_wait3A_38 = tpu.memref_slice %arg2[%dma_wait3A_37] : memref<67108864xf32, #tpu.memory_space<hbm>> -> memref<32768xf32, #tpu.memory_space<hbm>>
      %dma_wait3A_39 = tpu.memref_slice %arg10[%dma_wait3A_36] : memref<2x!tpu.dma_semaphore, #tpu.memory_space<semaphore_mem>> -> memref<1x!tpu.dma_semaphore, #tpu.memory_space<semaphore_mem>>
      %dma_wait3A_40 = tpu.memref_squeeze %dma_wait3A_39 : memref<1x!tpu.dma_semaphore, #tpu.memory_space<semaphore_mem>> -> memref<!tpu.dma_semaphore, #tpu.memory_space<semaphore_mem>>
      %dma_wait3A_41 = arith.constant 0 : i32
      %dma_wait3A_42 = tpu.memref_slice %arg2[%dma_wait3A_41] : memref<67108864xf32, #tpu.memory_space<hbm>> -> memref<32768xf32, #tpu.memory_space<hbm>>
      tpu.wait_dma2 semaphore(%dma_wait3A_40 : memref<!tpu.dma_semaphore, #tpu.memory_space<semaphore_mem>>) src(%dma_wait3A_42 : memref<32768xf32, #tpu.memory_space<hbm>>) dst(%arg6 : memref<32768xf32, #tpu.memory_space<vmem>>)
      %ge3A = arith.constant 1 : i32
      %ge3A_43 = arith.cmpi sge, %add3A_31, %ge3A : i32
      %convert_element_type3A_44 = arith.extui %ge3A_43 : i1 to i32
      %cond3A_45 = arith.constant 0 : i32
      %cond3A_46 = arith.cmpi ne, %convert_element_type3A_44, %cond3A_45 : i32
      scf.if %cond3A_46 {
        %dma_wait3A_131 = arith.constant 0 : i32
        %dma_wait3A_132 = arith.constant 0 : i32
        %dma_wait3A_133 = tpu.memref_slice %arg4[%dma_wait3A_132] : memref<67108864xf32, #tpu.memory_space<hbm>> -> memref<16384xf32, #tpu.memory_space<hbm>>
        %dma_wait3A_134 = tpu.memref_slice %arg11[%dma_wait3A_131] : memref<2x!tpu.dma_semaphore, #tpu.memory_space<semaphore_mem>> -> memref<1x!tpu.dma_semaphore, #tpu.memory_space<semaphore_mem>>
        %dma_wait3A_135 = tpu.memref_squeeze %dma_wait3A_134 : memref<1x!tpu.dma_semaphore, #tpu.memory_space<semaphore_mem>> -> memref<!tpu.dma_semaphore, #tpu.memory_space<semaphore_mem>>
        %dma_wait3A_136 = arith.constant 0 : i32
        %dma_wait3A_137 = tpu.memref_slice %arg4[%dma_wait3A_136] : memref<67108864xf32, #tpu.memory_space<hbm>> -> memref<16384xf32, #tpu.memory_space<hbm>>
        tpu.wait_dma2 semaphore(%dma_wait3A_135 : memref<!tpu.dma_semaphore, #tpu.memory_space<semaphore_mem>>) src(%arg8 : memref<16384xf32, #tpu.memory_space<vmem>>) dst(%dma_wait3A_137 : memref<16384xf32, #tpu.memory_space<hbm>>)
      } else {
      }
      %parallel_loop3A = arith.constant 0 : i32
      %parallel_loop3A_47 = arith.constant 2048 : i32
      %parallel_loop3A_48 = arith.constant 16 : i32
      scf.for %parallel_loop3A_131 = %parallel_loop3A to %parallel_loop3A_47 step %parallel_loop3A_48  : i32 {
        %parallel_loop3A_132 = arith.index_cast %parallel_loop3A_131 : i32 to index
        %parallel_loop3A_133 = tpu.vector_load %arg5[%parallel_loop3A_132] {strides = array<i32>} : memref<4096xi32, #tpu.memory_space<vmem>>, vector<16xi32>,
        %parallel_loop3A_134 = arith.constant 7 : i32
        %parallel_loop3A_135 = vector.broadcast %parallel_loop3A_134 : i32 to vector<16xi32>
        %parallel_loop3A_136 = arith.shrsi %parallel_loop3A_133, %parallel_loop3A_135 : vector<16xi32>
        %parallel_loop3A_137 = arith.constant 10 : i32
        %parallel_loop3A_138 = vector.broadcast %parallel_loop3A_137 : i32 to vector<16xi32>
        %parallel_loop3A_139 = arith.shli %parallel_loop3A_136, %parallel_loop3A_138 : vector<16xi32>
        %parallel_loop3A_140 = arith.constant 127 : i32
        %parallel_loop3A_141 = vector.broadcast %parallel_loop3A_140 : i32 to vector<16xi32>
        %parallel_loop3A_142 = arith.andi %parallel_loop3A_133, %parallel_loop3A_141 : vector<16xi32>
        %parallel_loop3A_143 = arith.addi %parallel_loop3A_139, %parallel_loop3A_142 : vector<16xi32>
        %parallel_loop3A_144 = arith.constant 7 : i32
        %parallel_loop3A_145 = arith.shrsi %parallel_loop3A_131, %parallel_loop3A_144 : i32
        %parallel_loop3A_146 = arith.constant 10 : i32
        %parallel_loop3A_147 = arith.shli %parallel_loop3A_145, %parallel_loop3A_146 : i32
        %parallel_loop3A_148 = arith.constant 127 : i32
        %parallel_loop3A_149 = arith.andi %parallel_loop3A_131, %parallel_loop3A_148 : i32
        %parallel_loop3A_150 = arith.addi %parallel_loop3A_147, %parallel_loop3A_149 : i32
        %parallel_loop3A_151 = arith.constant 0 : i32
        %parallel_loop3A_152 = arith.subi %parallel_loop3A_150, %parallel_loop3A_151 : i32
        %parallel_loop3A_153 = arith.constant 0 : i32
        %parallel_loop3A_154 = vector.broadcast %parallel_loop3A_153 : i32 to vector<16xi32>
        %parallel_loop3A_155 = arith.addi %parallel_loop3A_143, %parallel_loop3A_154 : vector<16xi32>
        %parallel_loop3A_156 = tpu.vector_load_idx %arg6[%parallel_loop3A_155] : memref<32768xf32, #tpu.memory_space<vmem>>[vector<16xi32>], vector<16xf32>,
        %parallel_loop3A_157 = arith.constant 0 : i32
        %parallel_loop3A_158 = arith.addi %parallel_loop3A_152, %parallel_loop3A_157 : i32
        %parallel_loop3A_159 = arith.index_cast %parallel_loop3A_158 : i32 to index
        %parallel_loop3A_160 = tpu.vector_load %arg8[%parallel_loop3A_159] {strides = array<i32>} : memref<16384xf32, #tpu.memory_space<vmem>>, vector<16xf32>,
        tpu.vector_store %arg8[%parallel_loop3A_159], %parallel_loop3A_156 {strides = array<i32>} : memref<16384xf32, #tpu.memory_space<vmem>>, vector<16xf32>,
        %parallel_loop3A_161 = arith.constant 128 : i32
        %parallel_loop3A_162 = vector.broadcast %parallel_loop3A_161 : i32 to vector<16xi32>
        %parallel_loop3A_163 = arith.addi %parallel_loop3A_143, %parallel_loop3A_162 : vector<16xi32>
        %parallel_loop3A_164 = tpu.vector_load_idx %arg6[%parallel_loop3A_163] : memref<32768xf32, #tpu.memory_space<vmem>>[vector<16xi32>], vector<16xf32>,
        %parallel_loop3A_165 = arith.constant 128 : i32
        %parallel_loop3A_166 = arith.addi %parallel_loop3A_152, %parallel_loop3A_165 : i32
        %parallel_loop3A_167 = arith.index_cast %parallel_loop3A_166 : i32 to index
        %parallel_loop3A_168 = tpu.vector_load %arg8[%parallel_loop3A_167] {strides = array<i32>} : memref<16384xf32, #tpu.memory_space<vmem>>, vector<16xf32>,
        tpu.vector_store %arg8[%parallel_loop3A_167], %parallel_loop3A_164 {strides = array<i32>} : memref<16384xf32, #tpu.memory_space<vmem>>, vector<16xf32>,
        %parallel_loop3A_169 = arith.constant 256 : i32
        %parallel_loop3A_170 = vector.broadcast %parallel_loop3A_169 : i32 to vector<16xi32>
        %parallel_loop3A_171 = arith.addi %parallel_loop3A_143, %parallel_loop3A_170 : vector<16xi32>
        %parallel_loop3A_172 = tpu.vector_load_idx %arg6[%parallel_loop3A_171] : memref<32768xf32, #tpu.memory_space<vmem>>[vector<16xi32>], vector<16xf32>,
        %parallel_loop3A_173 = arith.constant 256 : i32
        %parallel_loop3A_174 = arith.addi %parallel_loop3A_152, %parallel_loop3A_173 : i32
        %parallel_loop3A_175 = arith.index_cast %parallel_loop3A_174 : i32 to index
        %parallel_loop3A_176 = tpu.vector_load %arg8[%parallel_loop3A_175] {strides = array<i32>} : memref<16384xf32, #tpu.memory_space<vmem>>, vector<16xf32>,
        tpu.vector_store %arg8[%parallel_loop3A_175], %parallel_loop3A_172 {strides = array<i32>} : memref<16384xf32, #tpu.memory_space<vmem>>, vector<16xf32>,
        %parallel_loop3A_177 = arith.constant 384 : i32
        %parallel_loop3A_178 = vector.broadcast %parallel_loop3A_177 : i32 to vector<16xi32>
        %parallel_loop3A_179 = arith.addi %parallel_loop3A_143, %parallel_loop3A_178 : vector<16xi32>
        %parallel_loop3A_180 = tpu.vector_load_idx %arg6[%parallel_loop3A_179] : memref<32768xf32, #tpu.memory_space<vmem>>[vector<16xi32>], vector<16xf32>,
        %parallel_loop3A_181 = arith.constant 384 : i32
        %parallel_loop3A_182 = arith.addi %parallel_loop3A_152, %parallel_loop3A_181 : i32
        %parallel_loop3A_183 = arith.index_cast %parallel_loop3A_182 : i32 to index
        %parallel_loop3A_184 = tpu.vector_load %arg8[%parallel_loop3A_183] {strides = array<i32>} : memref<16384xf32, #tpu.memory_space<vmem>>, vector<16xf32>,
        tpu.vector_store %arg8[%parallel_loop3A_183], %parallel_loop3A_180 {strides = array<i32>} : memref<16384xf32, #tpu.memory_space<vmem>>, vector<16xf32>,
        %parallel_loop3A_185 = arith.constant 512 : i32
        %parallel_loop3A_186 = vector.broadcast %parallel_loop3A_185 : i32 to vector<16xi32>
        %parallel_loop3A_187 = arith.addi %parallel_loop3A_143, %parallel_loop3A_186 : vector<16xi32>
        %parallel_loop3A_188 = tpu.vector_load_idx %arg6[%parallel_loop3A_187] : memref<32768xf32, #tpu.memory_space<vmem>>[vector<16xi32>], vector<16xf32>,
        %parallel_loop3A_189 = arith.constant 512 : i32
        %parallel_loop3A_190 = arith.addi %parallel_loop3A_152, %parallel_loop3A_189 : i32
        %parallel_loop3A_191 = arith.index_cast %parallel_loop3A_190 : i32 to index
        %parallel_loop3A_192 = tpu.vector_load %arg8[%parallel_loop3A_191] {strides = array<i32>} : memref<16384xf32, #tpu.memory_space<vmem>>, vector<16xf32>,
        tpu.vector_store %arg8[%parallel_loop3A_191], %parallel_loop3A_188 {strides = array<i32>} : memref<16384xf32, #tpu.memory_space<vmem>>, vector<16xf32>,
        %parallel_loop3A_193 = arith.constant 640 : i32
        %parallel_loop3A_194 = vector.broadcast %parallel_loop3A_193 : i32 to vector<16xi32>
        %parallel_loop3A_195 = arith.addi %parallel_loop3A_143, %parallel_loop3A_194 : vector<16xi32>
        %parallel_loop3A_196 = tpu.vector_load_idx %arg6[%parallel_loop3A_195] : memref<32768xf32, #tpu.memory_space<vmem>>[vector<16xi32>], vector<16xf32>,
        %parallel_loop3A_197 = arith.constant 640 : i32
        %parallel_loop3A_198 = arith.addi %parallel_loop3A_152, %parallel_loop3A_197 : i32
        %parallel_loop3A_199 = arith.index_cast %parallel_loop3A_198 : i32 to index
        %parallel_loop3A_200 = tpu.vector_load %arg8[%parallel_loop3A_199] {strides = array<i32>} : memref<16384xf32, #tpu.memory_space<vmem>>, vector<16xf32>,
        tpu.vector_store %arg8[%parallel_loop3A_199], %parallel_loop3A_196 {strides = array<i32>} : memref<16384xf32, #tpu.memory_space<vmem>>, vector<16xf32>,
        %parallel_loop3A_201 = arith.constant 768 : i32
        %parallel_loop3A_202 = vector.broadcast %parallel_loop3A_201 : i32 to vector<16xi32>
        %parallel_loop3A_203 = arith.addi %parallel_loop3A_143, %parallel_loop3A_202 : vector<16xi32>
        %parallel_loop3A_204 = tpu.vector_load_idx %arg6[%parallel_loop3A_203] : memref<32768xf32, #tpu.memory_space<vmem>>[vector<16xi32>], vector<16xf32>,
        %parallel_loop3A_205 = arith.constant 768 : i32
        %parallel_loop3A_206 = arith.addi %parallel_loop3A_152, %parallel_loop3A_205 : i32
        %parallel_loop3A_207 = arith.index_cast %parallel_loop3A_206 : i32 to index
        %parallel_loop3A_208 = tpu.vector_load %arg8[%parallel_loop3A_207] {strides = array<i32>} : memref<16384xf32, #tpu.memory_space<vmem>>, vector<16xf32>,
        tpu.vector_store %arg8[%parallel_loop3A_207], %parallel_loop3A_204 {strides = array<i32>} : memref<16384xf32, #tpu.memory_space<vmem>>, vector<16xf32>,
        %parallel_loop3A_209 = arith.constant 896 : i32
        %parallel_loop3A_210 = vector.broadcast %parallel_loop3A_209 : i32 to vector<16xi32>
        %parallel_loop3A_211 = arith.addi %parallel_loop3A_143, %parallel_loop3A_210 : vector<16xi32>
        %parallel_loop3A_212 = tpu.vector_load_idx %arg6[%parallel_loop3A_211] : memref<32768xf32, #tpu.memory_space<vmem>>[vector<16xi32>], vector<16xf32>,
        %parallel_loop3A_213 = arith.constant 896 : i32
        %parallel_loop3A_214 = arith.addi %parallel_loop3A_152, %parallel_loop3A_213 : i32
        %parallel_loop3A_215 = arith.index_cast %parallel_loop3A_214 : i32 to index
        %parallel_loop3A_216 = tpu.vector_load %arg8[%parallel_loop3A_215] {strides = array<i32>} : memref<16384xf32, #tpu.memory_space<vmem>>, vector<16xf32>,
        tpu.vector_store %arg8[%parallel_loop3A_215], %parallel_loop3A_212 {strides = array<i32>} : memref<16384xf32, #tpu.memory_space<vmem>>, vector<16xf32>,
      } {sc.loop_unroll_factor = 4 : i64, sc.parallel_access}
      %mul3A_49 = arith.constant 32768 : i32
      %mul3A_50 = arith.muli %add3A_31, %mul3A_49 : i32
      %add3A_51 = arith.addi %mul3A_4, %mul3A_50 : i32
      %add3A_52 = arith.constant 0 : i32
      %add3A_53 = arith.addi %add3A_51, %add3A_52 : i32
      %dma_start3A_54 = arith.constant 0 : i32
      %dma_start3A_55 = tpu.memref_slice %arg4[%add3A_53] : memref<67108864xf32, #tpu.memory_space<hbm>> -> memref<16384xf32, #tpu.memory_space<hbm>>
      %dma_start3A_56 = tpu.memref_slice %arg11[%dma_start3A_54] : memref<2x!tpu.dma_semaphore, #tpu.memory_space<semaphore_mem>> -> memref<1x!tpu.dma_semaphore, #tpu.memory_space<semaphore_mem>>
      %dma_start3A_57 = tpu.memref_squeeze %dma_start3A_56 : memref<1x!tpu.dma_semaphore, #tpu.memory_space<semaphore_mem>> -> memref<!tpu.dma_semaphore, #tpu.memory_space<semaphore_mem>>
      %dma_start3A_58 = tpu.memref_slice %arg4[%add3A_53] : memref<67108864xf32, #tpu.memory_space<hbm>> -> memref<16384xf32, #tpu.memory_space<hbm>>
      tpu.enqueue_dma source(%arg8 : memref<16384xf32, #tpu.memory_space<vmem>>) target(%dma_start3A_58 : memref<16384xf32, #tpu.memory_space<hbm>>) target_semaphore(%dma_start3A_57 : memref<!tpu.dma_semaphore, #tpu.memory_space<semaphore_mem>>)
      %ge3A_59 = arith.constant 1 : i32
      %ge3A_60 = arith.cmpi sge, %add3A_31, %ge3A_59 : i32
      %convert_element_type3A_61 = arith.extui %ge3A_60 : i1 to i32
      %cond3A_62 = arith.constant 0 : i32
      %cond3A_63 = arith.cmpi ne, %convert_element_type3A_61, %cond3A_62 : i32
      scf.if %cond3A_63 {
        %dma_wait3A_131 = arith.constant 1 : i32
        %dma_wait3A_132 = arith.constant 0 : i32
        %dma_wait3A_133 = tpu.memref_slice %arg4[%dma_wait3A_132] : memref<67108864xf32, #tpu.memory_space<hbm>> -> memref<16384xf32, #tpu.memory_space<hbm>>
        %dma_wait3A_134 = tpu.memref_slice %arg11[%dma_wait3A_131] : memref<2x!tpu.dma_semaphore, #tpu.memory_space<semaphore_mem>> -> memref<1x!tpu.dma_semaphore, #tpu.memory_space<semaphore_mem>>
        %dma_wait3A_135 = tpu.memref_squeeze %dma_wait3A_134 : memref<1x!tpu.dma_semaphore, #tpu.memory_space<semaphore_mem>> -> memref<!tpu.dma_semaphore, #tpu.memory_space<semaphore_mem>>
        %dma_wait3A_136 = arith.constant 0 : i32
        %dma_wait3A_137 = tpu.memref_slice %arg4[%dma_wait3A_136] : memref<67108864xf32, #tpu.memory_space<hbm>> -> memref<16384xf32, #tpu.memory_space<hbm>>
        tpu.wait_dma2 semaphore(%dma_wait3A_135 : memref<!tpu.dma_semaphore, #tpu.memory_space<semaphore_mem>>) src(%arg9 : memref<16384xf32, #tpu.memory_space<vmem>>) dst(%dma_wait3A_137 : memref<16384xf32, #tpu.memory_space<hbm>>)
      } else {
      }
      %parallel_loop3A_64 = arith.constant 2048 : i32
      %parallel_loop3A_65 = arith.constant 4096 : i32
      %parallel_loop3A_66 = arith.constant 16 : i32
      scf.for %parallel_loop3A_131 = %parallel_loop3A_64 to %parallel_loop3A_65 step %parallel_loop3A_66  : i32 {
        %parallel_loop3A_132 = arith.index_cast %parallel_loop3A_131 : i32 to index
        %parallel_loop3A_133 = tpu.vector_load %arg5[%parallel_loop3A_132] {strides = array<i32>} : memref<4096xi32, #tpu.memory_space<vmem>>, vector<16xi32>,
        %parallel_loop3A_134 = arith.constant 7 : i32
        %parallel_loop3A_135 = vector.broadcast %parallel_loop3A_134 : i32 to vector<16xi32>
        %parallel_loop3A_136 = arith.shrsi %parallel_loop3A_133, %parallel_loop3A_135 : vector<16xi32>
        %parallel_loop3A_137 = arith.constant 10 : i32
        %parallel_loop3A_138 = vector.broadcast %parallel_loop3A_137 : i32 to vector<16xi32>
        %parallel_loop3A_139 = arith.shli %parallel_loop3A_136, %parallel_loop3A_138 : vector<16xi32>
        %parallel_loop3A_140 = arith.constant 127 : i32
        %parallel_loop3A_141 = vector.broadcast %parallel_loop3A_140 : i32 to vector<16xi32>
        %parallel_loop3A_142 = arith.andi %parallel_loop3A_133, %parallel_loop3A_141 : vector<16xi32>
        %parallel_loop3A_143 = arith.addi %parallel_loop3A_139, %parallel_loop3A_142 : vector<16xi32>
        %parallel_loop3A_144 = arith.constant 7 : i32
        %parallel_loop3A_145 = arith.shrsi %parallel_loop3A_131, %parallel_loop3A_144 : i32
        %parallel_loop3A_146 = arith.constant 10 : i32
        %parallel_loop3A_147 = arith.shli %parallel_loop3A_145, %parallel_loop3A_146 : i32
        %parallel_loop3A_148 = arith.constant 127 : i32
        %parallel_loop3A_149 = arith.andi %parallel_loop3A_131, %parallel_loop3A_148 : i32
        %parallel_loop3A_150 = arith.addi %parallel_loop3A_147, %parallel_loop3A_149 : i32
        %parallel_loop3A_151 = arith.constant 16384 : i32
        %parallel_loop3A_152 = arith.subi %parallel_loop3A_150, %parallel_loop3A_151 : i32
        %parallel_loop3A_153 = arith.constant 0 : i32
        %parallel_loop3A_154 = vector.broadcast %parallel_loop3A_153 : i32 to vector<16xi32>
        %parallel_loop3A_155 = arith.addi %parallel_loop3A_143, %parallel_loop3A_154 : vector<16xi32>
        %parallel_loop3A_156 = tpu.vector_load_idx %arg6[%parallel_loop3A_155] : memref<32768xf32, #tpu.memory_space<vmem>>[vector<16xi32>], vector<16xf32>,
        %parallel_loop3A_157 = arith.constant 0 : i32
        %parallel_loop3A_158 = arith.addi %parallel_loop3A_152, %parallel_loop3A_157 : i32
        %parallel_loop3A_159 = arith.index_cast %parallel_loop3A_158 : i32 to index
        %parallel_loop3A_160 = tpu.vector_load %arg9[%parallel_loop3A_159] {strides = array<i32>} : memref<16384xf32, #tpu.memory_space<vmem>>, vector<16xf32>,
        tpu.vector_store %arg9[%parallel_loop3A_159], %parallel_loop3A_156 {strides = array<i32>} : memref<16384xf32, #tpu.memory_space<vmem>>, vector<16xf32>,
        %parallel_loop3A_161 = arith.constant 128 : i32
        %parallel_loop3A_162 = vector.broadcast %parallel_loop3A_161 : i32 to vector<16xi32>
        %parallel_loop3A_163 = arith.addi %parallel_loop3A_143, %parallel_loop3A_162 : vector<16xi32>
        %parallel_loop3A_164 = tpu.vector_load_idx %arg6[%parallel_loop3A_163] : memref<32768xf32, #tpu.memory_space<vmem>>[vector<16xi32>], vector<16xf32>,
        %parallel_loop3A_165 = arith.constant 128 : i32
        %parallel_loop3A_166 = arith.addi %parallel_loop3A_152, %parallel_loop3A_165 : i32
        %parallel_loop3A_167 = arith.index_cast %parallel_loop3A_166 : i32 to index
        %parallel_loop3A_168 = tpu.vector_load %arg9[%parallel_loop3A_167] {strides = array<i32>} : memref<16384xf32, #tpu.memory_space<vmem>>, vector<16xf32>,
        tpu.vector_store %arg9[%parallel_loop3A_167], %parallel_loop3A_164 {strides = array<i32>} : memref<16384xf32, #tpu.memory_space<vmem>>, vector<16xf32>,
        %parallel_loop3A_169 = arith.constant 256 : i32
        %parallel_loop3A_170 = vector.broadcast %parallel_loop3A_169 : i32 to vector<16xi32>
        %parallel_loop3A_171 = arith.addi %parallel_loop3A_143, %parallel_loop3A_170 : vector<16xi32>
        %parallel_loop3A_172 = tpu.vector_load_idx %arg6[%parallel_loop3A_171] : memref<32768xf32, #tpu.memory_space<vmem>>[vector<16xi32>], vector<16xf32>,
        %parallel_loop3A_173 = arith.constant 256 : i32
        %parallel_loop3A_174 = arith.addi %parallel_loop3A_152, %parallel_loop3A_173 : i32
        %parallel_loop3A_175 = arith.index_cast %parallel_loop3A_174 : i32 to index
        %parallel_loop3A_176 = tpu.vector_load %arg9[%parallel_loop3A_175] {strides = array<i32>} : memref<16384xf32, #tpu.memory_space<vmem>>, vector<16xf32>,
        tpu.vector_store %arg9[%parallel_loop3A_175], %parallel_loop3A_172 {strides = array<i32>} : memref<16384xf32, #tpu.memory_space<vmem>>, vector<16xf32>,
        %parallel_loop3A_177 = arith.constant 384 : i32
        %parallel_loop3A_178 = vector.broadcast %parallel_loop3A_177 : i32 to vector<16xi32>
        %parallel_loop3A_179 = arith.addi %parallel_loop3A_143, %parallel_loop3A_178 : vector<16xi32>
        %parallel_loop3A_180 = tpu.vector_load_idx %arg6[%parallel_loop3A_179] : memref<32768xf32, #tpu.memory_space<vmem>>[vector<16xi32>], vector<16xf32>,
        %parallel_loop3A_181 = arith.constant 384 : i32
        %parallel_loop3A_182 = arith.addi %parallel_loop3A_152, %parallel_loop3A_181 : i32
        %parallel_loop3A_183 = arith.index_cast %parallel_loop3A_182 : i32 to index
        %parallel_loop3A_184 = tpu.vector_load %arg9[%parallel_loop3A_183] {strides = array<i32>} : memref<16384xf32, #tpu.memory_space<vmem>>, vector<16xf32>,
        tpu.vector_store %arg9[%parallel_loop3A_183], %parallel_loop3A_180 {strides = array<i32>} : memref<16384xf32, #tpu.memory_space<vmem>>, vector<16xf32>,
        %parallel_loop3A_185 = arith.constant 512 : i32
        %parallel_loop3A_186 = vector.broadcast %parallel_loop3A_185 : i32 to vector<16xi32>
        %parallel_loop3A_187 = arith.addi %parallel_loop3A_143, %parallel_loop3A_186 : vector<16xi32>
        %parallel_loop3A_188 = tpu.vector_load_idx %arg6[%parallel_loop3A_187] : memref<32768xf32, #tpu.memory_space<vmem>>[vector<16xi32>], vector<16xf32>,
        %parallel_loop3A_189 = arith.constant 512 : i32
        %parallel_loop3A_190 = arith.addi %parallel_loop3A_152, %parallel_loop3A_189 : i32
        %parallel_loop3A_191 = arith.index_cast %parallel_loop3A_190 : i32 to index
        %parallel_loop3A_192 = tpu.vector_load %arg9[%parallel_loop3A_191] {strides = array<i32>} : memref<16384xf32, #tpu.memory_space<vmem>>, vector<16xf32>,
        tpu.vector_store %arg9[%parallel_loop3A_191], %parallel_loop3A_188 {strides = array<i32>} : memref<16384xf32, #tpu.memory_space<vmem>>, vector<16xf32>,
        %parallel_loop3A_193 = arith.constant 640 : i32
        %parallel_loop3A_194 = vector.broadcast %parallel_loop3A_193 : i32 to vector<16xi32>
        %parallel_loop3A_195 = arith.addi %parallel_loop3A_143, %parallel_loop3A_194 : vector<16xi32>
        %parallel_loop3A_196 = tpu.vector_load_idx %arg6[%parallel_loop3A_195] : memref<32768xf32, #tpu.memory_space<vmem>>[vector<16xi32>], vector<16xf32>,
        %parallel_loop3A_197 = arith.constant 640 : i32
        %parallel_loop3A_198 = arith.addi %parallel_loop3A_152, %parallel_loop3A_197 : i32
        %parallel_loop3A_199 = arith.index_cast %parallel_loop3A_198 : i32 to index
        %parallel_loop3A_200 = tpu.vector_load %arg9[%parallel_loop3A_199] {strides = array<i32>} : memref<16384xf32, #tpu.memory_space<vmem>>, vector<16xf32>,
        tpu.vector_store %arg9[%parallel_loop3A_199], %parallel_loop3A_196 {strides = array<i32>} : memref<16384xf32, #tpu.memory_space<vmem>>, vector<16xf32>,
        %parallel_loop3A_201 = arith.constant 768 : i32
        %parallel_loop3A_202 = vector.broadcast %parallel_loop3A_201 : i32 to vector<16xi32>
        %parallel_loop3A_203 = arith.addi %parallel_loop3A_143, %parallel_loop3A_202 : vector<16xi32>
        %parallel_loop3A_204 = tpu.vector_load_idx %arg6[%parallel_loop3A_203] : memref<32768xf32, #tpu.memory_space<vmem>>[vector<16xi32>], vector<16xf32>,
        %parallel_loop3A_205 = arith.constant 768 : i32
        %parallel_loop3A_206 = arith.addi %parallel_loop3A_152, %parallel_loop3A_205 : i32
        %parallel_loop3A_207 = arith.index_cast %parallel_loop3A_206 : i32 to index
        %parallel_loop3A_208 = tpu.vector_load %arg9[%parallel_loop3A_207] {strides = array<i32>} : memref<16384xf32, #tpu.memory_space<vmem>>, vector<16xf32>,
        tpu.vector_store %arg9[%parallel_loop3A_207], %parallel_loop3A_204 {strides = array<i32>} : memref<16384xf32, #tpu.memory_space<vmem>>, vector<16xf32>,
        %parallel_loop3A_209 = arith.constant 896 : i32
        %parallel_loop3A_210 = vector.broadcast %parallel_loop3A_209 : i32 to vector<16xi32>
        %parallel_loop3A_211 = arith.addi %parallel_loop3A_143, %parallel_loop3A_210 : vector<16xi32>
        %parallel_loop3A_212 = tpu.vector_load_idx %arg6[%parallel_loop3A_211] : memref<32768xf32, #tpu.memory_space<vmem>>[vector<16xi32>], vector<16xf32>,
        %parallel_loop3A_213 = arith.constant 896 : i32
        %parallel_loop3A_214 = arith.addi %parallel_loop3A_152, %parallel_loop3A_213 : i32
        %parallel_loop3A_215 = arith.index_cast %parallel_loop3A_214 : i32 to index
        %parallel_loop3A_216 = tpu.vector_load %arg9[%parallel_loop3A_215] {strides = array<i32>} : memref<16384xf32, #tpu.memory_space<vmem>>, vector<16xf32>,
        tpu.vector_store %arg9[%parallel_loop3A_215], %parallel_loop3A_212 {strides = array<i32>} : memref<16384xf32, #tpu.memory_space<vmem>>, vector<16xf32>,
      } {sc.loop_unroll_factor = 4 : i64, sc.parallel_access}
      %mul3A_67 = arith.constant 32768 : i32
      %mul3A_68 = arith.muli %add3A_31, %mul3A_67 : i32
      %add3A_69 = arith.addi %mul3A_4, %mul3A_68 : i32
      %add3A_70 = arith.constant 16384 : i32
      %add3A_71 = arith.addi %add3A_69, %add3A_70 : i32
      %dma_start3A_72 = arith.constant 1 : i32
      %dma_start3A_73 = tpu.memref_slice %arg4[%add3A_71] : memref<67108864xf32, #tpu.memory_space<hbm>> -> memref<16384xf32, #tpu.memory_space<hbm>>
      %dma_start3A_74 = tpu.memref_slice %arg11[%dma_start3A_72] : memref<2x!tpu.dma_semaphore, #tpu.memory_space<semaphore_mem>> -> memref<1x!tpu.dma_semaphore, #tpu.memory_space<semaphore_mem>>
      %dma_start3A_75 = tpu.memref_squeeze %dma_start3A_74 : memref<1x!tpu.dma_semaphore, #tpu.memory_space<semaphore_mem>> -> memref<!tpu.dma_semaphore, #tpu.memory_space<semaphore_mem>>
      %dma_start3A_76 = tpu.memref_slice %arg4[%add3A_71] : memref<67108864xf32, #tpu.memory_space<hbm>> -> memref<16384xf32, #tpu.memory_space<hbm>>
      tpu.enqueue_dma source(%arg9 : memref<16384xf32, #tpu.memory_space<vmem>>) target(%dma_start3A_76 : memref<16384xf32, #tpu.memory_space<hbm>>) target_semaphore(%dma_start3A_75 : memref<!tpu.dma_semaphore, #tpu.memory_space<semaphore_mem>>)
      %mul3A_77 = arith.constant 2 : i32
      %mul3A_78 = arith.muli %scan3A_27, %mul3A_77 : i32
      %add3A_79 = arith.constant 1 : i32
      %add3A_80 = arith.addi %mul3A_78, %add3A_79 : i32
      %add3A_81 = arith.constant 1 : i32
      %add3A_82 = arith.addi %add3A_80, %add3A_81 : i32
      %lt3A_83 = arith.constant 64 : i32
      %lt3A_84 = arith.cmpi slt, %add3A_82, %lt3A_83 : i32
      %convert_element_type3A_85 = arith.extui %lt3A_84 : i1 to i32
      %cond3A_86 = arith.constant 0 : i32
      %cond3A_87 = arith.cmpi ne, %convert_element_type3A_85, %cond3A_86 : i32
      scf.if %cond3A_87 {
        %add3A_131 = arith.constant 1 : i32
        %add3A_132 = arith.addi %add3A_80, %add3A_131 : i32
        %mul3A_133 = arith.constant 32768 : i32
        %mul3A_134 = arith.muli %add3A_132, %mul3A_133 : i32
        %add3A_135 = arith.addi %mul3A_4, %mul3A_134 : i32
        %dma_start3A_136 = arith.constant 0 : i32
        %dma_start3A_137 = tpu.memref_slice %arg2[%add3A_135] : memref<67108864xf32, #tpu.memory_space<hbm>> -> memref<32768xf32, #tpu.memory_space<hbm>>
        %dma_start3A_138 = tpu.memref_slice %arg10[%dma_start3A_136] : memref<2x!tpu.dma_semaphore, #tpu.memory_space<semaphore_mem>> -> memref<1x!tpu.dma_semaphore, #tpu.memory_space<semaphore_mem>>
        %dma_start3A_139 = tpu.memref_squeeze %dma_start3A_138 : memref<1x!tpu.dma_semaphore, #tpu.memory_space<semaphore_mem>> -> memref<!tpu.dma_semaphore, #tpu.memory_space<semaphore_mem>>
        %dma_start3A_140 = tpu.memref_slice %arg2[%add3A_135] : memref<67108864xf32, #tpu.memory_space<hbm>> -> memref<32768xf32, #tpu.memory_space<hbm>>
        tpu.enqueue_dma source(%dma_start3A_140 : memref<32768xf32, #tpu.memory_space<hbm>>) target(%arg6 : memref<32768xf32, #tpu.memory_space<vmem>>) target_semaphore(%dma_start3A_139 : memref<!tpu.dma_semaphore, #tpu.memory_space<semaphore_mem>>)
      } else {
      }
      %dma_wait3A_88 = arith.constant 1 : i32
      %dma_wait3A_89 = arith.constant 0 : i32
      %dma_wait3A_90 = tpu.memref_slice %arg2[%dma_wait3A_89] : memref<67108864xf32, #tpu.memory_space<hbm>> -> memref<32768xf32, #tpu.memory_space<hbm>>
      %dma_wait3A_91 = tpu.memref_slice %arg10[%dma_wait3A_88] : memref<2x!tpu.dma_semaphore, #tpu.memory_space<semaphore_mem>> -> memref<1x!tpu.dma_semaphore, #tpu.memory_space<semaphore_mem>>
      %dma_wait3A_92 = tpu.memref_squeeze %dma_wait3A_91 : memref<1x!tpu.dma_semaphore, #tpu.memory_space<semaphore_mem>> -> memref<!tpu.dma_semaphore, #tpu.memory_space<semaphore_mem>>
      %dma_wait3A_93 = arith.constant 0 : i32
      %dma_wait3A_94 = tpu.memref_slice %arg2[%dma_wait3A_93] : memref<67108864xf32, #tpu.memory_space<hbm>> -> memref<32768xf32, #tpu.memory_space<hbm>>
      tpu.wait_dma2 semaphore(%dma_wait3A_92 : memref<!tpu.dma_semaphore, #tpu.memory_space<semaphore_mem>>) src(%dma_wait3A_94 : memref<32768xf32, #tpu.memory_space<hbm>>) dst(%arg7 : memref<32768xf32, #tpu.memory_space<vmem>>)
      %ge3A_95 = arith.constant 1 : i32
      %ge3A_96 = arith.cmpi sge, %add3A_80, %ge3A_95 : i32
      %convert_element_type3A_97 = arith.extui %ge3A_96 : i1 to i32
      %cond3A_98 = arith.constant 0 : i32
      %cond3A_99 = arith.cmpi ne, %convert_element_type3A_97, %cond3A_98 : i32
      scf.if %cond3A_99 {
        %dma_wait3A_131 = arith.constant 0 : i32
        %dma_wait3A_132 = arith.constant 0 : i32
        %dma_wait3A_133 = tpu.memref_slice %arg4[%dma_wait3A_132] : memref<67108864xf32, #tpu.memory_space<hbm>> -> memref<16384xf32, #tpu.memory_space<hbm>>
        %dma_wait3A_134 = tpu.memref_slice %arg11[%dma_wait3A_131] : memref<2x!tpu.dma_semaphore, #tpu.memory_space<semaphore_mem>> -> memref<1x!tpu.dma_semaphore, #tpu.memory_space<semaphore_mem>>
        %dma_wait3A_135 = tpu.memref_squeeze %dma_wait3A_134 : memref<1x!tpu.dma_semaphore, #tpu.memory_space<semaphore_mem>> -> memref<!tpu.dma_semaphore, #tpu.memory_space<semaphore_mem>>
        %dma_wait3A_136 = arith.constant 0 : i32
        %dma_wait3A_137 = tpu.memref_slice %arg4[%dma_wait3A_136] : memref<67108864xf32, #tpu.memory_space<hbm>> -> memref<16384xf32, #tpu.memory_space<hbm>>
        tpu.wait_dma2 semaphore(%dma_wait3A_135 : memref<!tpu.dma_semaphore, #tpu.memory_space<semaphore_mem>>) src(%arg8 : memref<16384xf32, #tpu.memory_space<vmem>>) dst(%dma_wait3A_137 : memref<16384xf32, #tpu.memory_space<hbm>>)
      } else {
      }
      %parallel_loop3A_100 = arith.constant 0 : i32
      %parallel_loop3A_101 = arith.constant 2048 : i32
      %parallel_loop3A_102 = arith.constant 16 : i32
      scf.for %parallel_loop3A_131 = %parallel_loop3A_100 to %parallel_loop3A_101 step %parallel_loop3A_102  : i32 {
        %parallel_loop3A_132 = arith.index_cast %parallel_loop3A_131 : i32 to index
        %parallel_loop3A_133 = tpu.vector_load %arg5[%parallel_loop3A_132] {strides = array<i32>} : memref<4096xi32, #tpu.memory_space<vmem>>, vector<16xi32>,
        %parallel_loop3A_134 = arith.constant 7 : i32
        %parallel_loop3A_135 = vector.broadcast %parallel_loop3A_134 : i32 to vector<16xi32>
        %parallel_loop3A_136 = arith.shrsi %parallel_loop3A_133, %parallel_loop3A_135 : vector<16xi32>
        %parallel_loop3A_137 = arith.constant 10 : i32
        %parallel_loop3A_138 = vector.broadcast %parallel_loop3A_137 : i32 to vector<16xi32>
        %parallel_loop3A_139 = arith.shli %parallel_loop3A_136, %parallel_loop3A_138 : vector<16xi32>
        %parallel_loop3A_140 = arith.constant 127 : i32
        %parallel_loop3A_141 = vector.broadcast %parallel_loop3A_140 : i32 to vector<16xi32>
        %parallel_loop3A_142 = arith.andi %parallel_loop3A_133, %parallel_loop3A_141 : vector<16xi32>
        %parallel_loop3A_143 = arith.addi %parallel_loop3A_139, %parallel_loop3A_142 : vector<16xi32>
        %parallel_loop3A_144 = arith.constant 7 : i32
        %parallel_loop3A_145 = arith.shrsi %parallel_loop3A_131, %parallel_loop3A_144 : i32
        %parallel_loop3A_146 = arith.constant 10 : i32
        %parallel_loop3A_147 = arith.shli %parallel_loop3A_145, %parallel_loop3A_146 : i32
        %parallel_loop3A_148 = arith.constant 127 : i32
        %parallel_loop3A_149 = arith.andi %parallel_loop3A_131, %parallel_loop3A_148 : i32
        %parallel_loop3A_150 = arith.addi %parallel_loop3A_147, %parallel_loop3A_149 : i32
        %parallel_loop3A_151 = arith.constant 0 : i32
        %parallel_loop3A_152 = arith.subi %parallel_loop3A_150, %parallel_loop3A_151 : i32
        %parallel_loop3A_153 = arith.constant 0 : i32
        %parallel_loop3A_154 = vector.broadcast %parallel_loop3A_153 : i32 to vector<16xi32>
        %parallel_loop3A_155 = arith.addi %parallel_loop3A_143, %parallel_loop3A_154 : vector<16xi32>
        %parallel_loop3A_156 = tpu.vector_load_idx %arg7[%parallel_loop3A_155] : memref<32768xf32, #tpu.memory_space<vmem>>[vector<16xi32>], vector<16xf32>,
        %parallel_loop3A_157 = arith.constant 0 : i32
        %parallel_loop3A_158 = arith.addi %parallel_loop3A_152, %parallel_loop3A_157 : i32
        %parallel_loop3A_159 = arith.index_cast %parallel_loop3A_158 : i32 to index
        %parallel_loop3A_160 = tpu.vector_load %arg8[%parallel_loop3A_159] {strides = array<i32>} : memref<16384xf32, #tpu.memory_space<vmem>>, vector<16xf32>,
        tpu.vector_store %arg8[%parallel_loop3A_159], %parallel_loop3A_156 {strides = array<i32>} : memref<16384xf32, #tpu.memory_space<vmem>>, vector<16xf32>,
        %parallel_loop3A_161 = arith.constant 128 : i32
        %parallel_loop3A_162 = vector.broadcast %parallel_loop3A_161 : i32 to vector<16xi32>
        %parallel_loop3A_163 = arith.addi %parallel_loop3A_143, %parallel_loop3A_162 : vector<16xi32>
        %parallel_loop3A_164 = tpu.vector_load_idx %arg7[%parallel_loop3A_163] : memref<32768xf32, #tpu.memory_space<vmem>>[vector<16xi32>], vector<16xf32>,
        %parallel_loop3A_165 = arith.constant 128 : i32
        %parallel_loop3A_166 = arith.addi %parallel_loop3A_152, %parallel_loop3A_165 : i32
        %parallel_loop3A_167 = arith.index_cast %parallel_loop3A_166 : i32 to index
        %parallel_loop3A_168 = tpu.vector_load %arg8[%parallel_loop3A_167] {strides = array<i32>} : memref<16384xf32, #tpu.memory_space<vmem>>, vector<16xf32>,
        tpu.vector_store %arg8[%parallel_loop3A_167], %parallel_loop3A_164 {strides = array<i32>} : memref<16384xf32, #tpu.memory_space<vmem>>, vector<16xf32>,
        %parallel_loop3A_169 = arith.constant 256 : i32
        %parallel_loop3A_170 = vector.broadcast %parallel_loop3A_169 : i32 to vector<16xi32>
        %parallel_loop3A_171 = arith.addi %parallel_loop3A_143, %parallel_loop3A_170 : vector<16xi32>
        %parallel_loop3A_172 = tpu.vector_load_idx %arg7[%parallel_loop3A_171] : memref<32768xf32, #tpu.memory_space<vmem>>[vector<16xi32>], vector<16xf32>,
        %parallel_loop3A_173 = arith.constant 256 : i32
        %parallel_loop3A_174 = arith.addi %parallel_loop3A_152, %parallel_loop3A_173 : i32
        %parallel_loop3A_175 = arith.index_cast %parallel_loop3A_174 : i32 to index
        %parallel_loop3A_176 = tpu.vector_load %arg8[%parallel_loop3A_175] {strides = array<i32>} : memref<16384xf32, #tpu.memory_space<vmem>>, vector<16xf32>,
        tpu.vector_store %arg8[%parallel_loop3A_175], %parallel_loop3A_172 {strides = array<i32>} : memref<16384xf32, #tpu.memory_space<vmem>>, vector<16xf32>,
        %parallel_loop3A_177 = arith.constant 384 : i32
        %parallel_loop3A_178 = vector.broadcast %parallel_loop3A_177 : i32 to vector<16xi32>
        %parallel_loop3A_179 = arith.addi %parallel_loop3A_143, %parallel_loop3A_178 : vector<16xi32>
        %parallel_loop3A_180 = tpu.vector_load_idx %arg7[%parallel_loop3A_179] : memref<32768xf32, #tpu.memory_space<vmem>>[vector<16xi32>], vector<16xf32>,
        %parallel_loop3A_181 = arith.constant 384 : i32
        %parallel_loop3A_182 = arith.addi %parallel_loop3A_152, %parallel_loop3A_181 : i32
        %parallel_loop3A_183 = arith.index_cast %parallel_loop3A_182 : i32 to index
        %parallel_loop3A_184 = tpu.vector_load %arg8[%parallel_loop3A_183] {strides = array<i32>} : memref<16384xf32, #tpu.memory_space<vmem>>, vector<16xf32>,
        tpu.vector_store %arg8[%parallel_loop3A_183], %parallel_loop3A_180 {strides = array<i32>} : memref<16384xf32, #tpu.memory_space<vmem>>, vector<16xf32>,
        %parallel_loop3A_185 = arith.constant 512 : i32
        %parallel_loop3A_186 = vector.broadcast %parallel_loop3A_185 : i32 to vector<16xi32>
        %parallel_loop3A_187 = arith.addi %parallel_loop3A_143, %parallel_loop3A_186 : vector<16xi32>
        %parallel_loop3A_188 = tpu.vector_load_idx %arg7[%parallel_loop3A_187] : memref<32768xf32, #tpu.memory_space<vmem>>[vector<16xi32>], vector<16xf32>,
        %parallel_loop3A_189 = arith.constant 512 : i32
        %parallel_loop3A_190 = arith.addi %parallel_loop3A_152, %parallel_loop3A_189 : i32
        %parallel_loop3A_191 = arith.index_cast %parallel_loop3A_190 : i32 to index
        %parallel_loop3A_192 = tpu.vector_load %arg8[%parallel_loop3A_191] {strides = array<i32>} : memref<16384xf32, #tpu.memory_space<vmem>>, vector<16xf32>,
        tpu.vector_store %arg8[%parallel_loop3A_191], %parallel_loop3A_188 {strides = array<i32>} : memref<16384xf32, #tpu.memory_space<vmem>>, vector<16xf32>,
        %parallel_loop3A_193 = arith.constant 640 : i32
        %parallel_loop3A_194 = vector.broadcast %parallel_loop3A_193 : i32 to vector<16xi32>
        %parallel_loop3A_195 = arith.addi %parallel_loop3A_143, %parallel_loop3A_194 : vector<16xi32>
        %parallel_loop3A_196 = tpu.vector_load_idx %arg7[%parallel_loop3A_195] : memref<32768xf32, #tpu.memory_space<vmem>>[vector<16xi32>], vector<16xf32>,
        %parallel_loop3A_197 = arith.constant 640 : i32
        %parallel_loop3A_198 = arith.addi %parallel_loop3A_152, %parallel_loop3A_197 : i32
        %parallel_loop3A_199 = arith.index_cast %parallel_loop3A_198 : i32 to index
        %parallel_loop3A_200 = tpu.vector_load %arg8[%parallel_loop3A_199] {strides = array<i32>} : memref<16384xf32, #tpu.memory_space<vmem>>, vector<16xf32>,
        tpu.vector_store %arg8[%parallel_loop3A_199], %parallel_loop3A_196 {strides = array<i32>} : memref<16384xf32, #tpu.memory_space<vmem>>, vector<16xf32>,
        %parallel_loop3A_201 = arith.constant 768 : i32
        %parallel_loop3A_202 = vector.broadcast %parallel_loop3A_201 : i32 to vector<16xi32>
        %parallel_loop3A_203 = arith.addi %parallel_loop3A_143, %parallel_loop3A_202 : vector<16xi32>
        %parallel_loop3A_204 = tpu.vector_load_idx %arg7[%parallel_loop3A_203] : memref<32768xf32, #tpu.memory_space<vmem>>[vector<16xi32>], vector<16xf32>,
        %parallel_loop3A_205 = arith.constant 768 : i32
        %parallel_loop3A_206 = arith.addi %parallel_loop3A_152, %parallel_loop3A_205 : i32
        %parallel_loop3A_207 = arith.index_cast %parallel_loop3A_206 : i32 to index
        %parallel_loop3A_208 = tpu.vector_load %arg8[%parallel_loop3A_207] {strides = array<i32>} : memref<16384xf32, #tpu.memory_space<vmem>>, vector<16xf32>,
        tpu.vector_store %arg8[%parallel_loop3A_207], %parallel_loop3A_204 {strides = array<i32>} : memref<16384xf32, #tpu.memory_space<vmem>>, vector<16xf32>,
        %parallel_loop3A_209 = arith.constant 896 : i32
        %parallel_loop3A_210 = vector.broadcast %parallel_loop3A_209 : i32 to vector<16xi32>
        %parallel_loop3A_211 = arith.addi %parallel_loop3A_143, %parallel_loop3A_210 : vector<16xi32>
        %parallel_loop3A_212 = tpu.vector_load_idx %arg7[%parallel_loop3A_211] : memref<32768xf32, #tpu.memory_space<vmem>>[vector<16xi32>], vector<16xf32>,
        %parallel_loop3A_213 = arith.constant 896 : i32
        %parallel_loop3A_214 = arith.addi %parallel_loop3A_152, %parallel_loop3A_213 : i32
        %parallel_loop3A_215 = arith.index_cast %parallel_loop3A_214 : i32 to index
        %parallel_loop3A_216 = tpu.vector_load %arg8[%parallel_loop3A_215] {strides = array<i32>} : memref<16384xf32, #tpu.memory_space<vmem>>, vector<16xf32>,
        tpu.vector_store %arg8[%parallel_loop3A_215], %parallel_loop3A_212 {strides = array<i32>} : memref<16384xf32, #tpu.memory_space<vmem>>, vector<16xf32>,
      } {sc.loop_unroll_factor = 4 : i64, sc.parallel_access}
      %mul3A_103 = arith.constant 32768 : i32
      %mul3A_104 = arith.muli %add3A_80, %mul3A_103 : i32
      %add3A_105 = arith.addi %mul3A_4, %mul3A_104 : i32
      %add3A_106 = arith.constant 0 : i32
      %add3A_107 = arith.addi %add3A_105, %add3A_106 : i32
      %dma_start3A_108 = arith.constant 0 : i32
      %dma_start3A_109 = tpu.memref_slice %arg4[%add3A_107] : memref<67108864xf32, #tpu.memory_space<hbm>> -> memref<16384xf32, #tpu.memory_space<hbm>>
      %dma_start3A_110 = tpu.memref_slice %arg11[%dma_start3A_108] : memref<2x!tpu.dma_semaphore, #tpu.memory_space<semaphore_mem>> -> memref<1x!tpu.dma_semaphore, #tpu.memory_space<semaphore_mem>>
      %dma_start3A_111 = tpu.memref_squeeze %dma_start3A_110 : memref<1x!tpu.dma_semaphore, #tpu.memory_space<semaphore_mem>> -> memref<!tpu.dma_semaphore, #tpu.memory_space<semaphore_mem>>
      %dma_start3A_112 = tpu.memref_slice %arg4[%add3A_107] : memref<67108864xf32, #tpu.memory_space<hbm>> -> memref<16384xf32, #tpu.memory_space<hbm>>
      tpu.enqueue_dma source(%arg8 : memref<16384xf32, #tpu.memory_space<vmem>>) target(%dma_start3A_112 : memref<16384xf32, #tpu.memory_space<hbm>>) target_semaphore(%dma_start3A_111 : memref<!tpu.dma_semaphore, #tpu.memory_space<semaphore_mem>>)
      %ge3A_113 = arith.constant 1 : i32
      %ge3A_114 = arith.cmpi sge, %add3A_80, %ge3A_113 : i32
      %convert_element_type3A_115 = arith.extui %ge3A_114 : i1 to i32
      %cond3A_116 = arith.constant 0 : i32
      %cond3A_117 = arith.cmpi ne, %convert_element_type3A_115, %cond3A_116 : i32
      scf.if %cond3A_117 {
        %dma_wait3A_131 = arith.constant 1 : i32
        %dma_wait3A_132 = arith.constant 0 : i32
        %dma_wait3A_133 = tpu.memref_slice %arg4[%dma_wait3A_132] : memref<67108864xf32, #tpu.memory_space<hbm>> -> memref<16384xf32, #tpu.memory_space<hbm>>
        %dma_wait3A_134 = tpu.memref_slice %arg11[%dma_wait3A_131] : memref<2x!tpu.dma_semaphore, #tpu.memory_space<semaphore_mem>> -> memref<1x!tpu.dma_semaphore, #tpu.memory_space<semaphore_mem>>
        %dma_wait3A_135 = tpu.memref_squeeze %dma_wait3A_134 : memref<1x!tpu.dma_semaphore, #tpu.memory_space<semaphore_mem>> -> memref<!tpu.dma_semaphore, #tpu.memory_space<semaphore_mem>>
        %dma_wait3A_136 = arith.constant 0 : i32
        %dma_wait3A_137 = tpu.memref_slice %arg4[%dma_wait3A_136] : memref<67108864xf32, #tpu.memory_space<hbm>> -> memref<16384xf32, #tpu.memory_space<hbm>>
        tpu.wait_dma2 semaphore(%dma_wait3A_135 : memref<!tpu.dma_semaphore, #tpu.memory_space<semaphore_mem>>) src(%arg9 : memref<16384xf32, #tpu.memory_space<vmem>>) dst(%dma_wait3A_137 : memref<16384xf32, #tpu.memory_space<hbm>>)
      } else {
      }
      %parallel_loop3A_118 = arith.constant 2048 : i32
      %parallel_loop3A_119 = arith.constant 4096 : i32
      %parallel_loop3A_120 = arith.constant 16 : i32
      scf.for %parallel_loop3A_131 = %parallel_loop3A_118 to %parallel_loop3A_119 step %parallel_loop3A_120  : i32 {
        %parallel_loop3A_132 = arith.index_cast %parallel_loop3A_131 : i32 to index
        %parallel_loop3A_133 = tpu.vector_load %arg5[%parallel_loop3A_132] {strides = array<i32>} : memref<4096xi32, #tpu.memory_space<vmem>>, vector<16xi32>,
        %parallel_loop3A_134 = arith.constant 7 : i32
        %parallel_loop3A_135 = vector.broadcast %parallel_loop3A_134 : i32 to vector<16xi32>
        %parallel_loop3A_136 = arith.shrsi %parallel_loop3A_133, %parallel_loop3A_135 : vector<16xi32>
        %parallel_loop3A_137 = arith.constant 10 : i32
        %parallel_loop3A_138 = vector.broadcast %parallel_loop3A_137 : i32 to vector<16xi32>
        %parallel_loop3A_139 = arith.shli %parallel_loop3A_136, %parallel_loop3A_138 : vector<16xi32>
        %parallel_loop3A_140 = arith.constant 127 : i32
        %parallel_loop3A_141 = vector.broadcast %parallel_loop3A_140 : i32 to vector<16xi32>
        %parallel_loop3A_142 = arith.andi %parallel_loop3A_133, %parallel_loop3A_141 : vector<16xi32>
        %parallel_loop3A_143 = arith.addi %parallel_loop3A_139, %parallel_loop3A_142 : vector<16xi32>
        %parallel_loop3A_144 = arith.constant 7 : i32
        %parallel_loop3A_145 = arith.shrsi %parallel_loop3A_131, %parallel_loop3A_144 : i32
        %parallel_loop3A_146 = arith.constant 10 : i32
        %parallel_loop3A_147 = arith.shli %parallel_loop3A_145, %parallel_loop3A_146 : i32
        %parallel_loop3A_148 = arith.constant 127 : i32
        %parallel_loop3A_149 = arith.andi %parallel_loop3A_131, %parallel_loop3A_148 : i32
        %parallel_loop3A_150 = arith.addi %parallel_loop3A_147, %parallel_loop3A_149 : i32
        %parallel_loop3A_151 = arith.constant 16384 : i32
        %parallel_loop3A_152 = arith.subi %parallel_loop3A_150, %parallel_loop3A_151 : i32
        %parallel_loop3A_153 = arith.constant 0 : i32
        %parallel_loop3A_154 = vector.broadcast %parallel_loop3A_153 : i32 to vector<16xi32>
        %parallel_loop3A_155 = arith.addi %parallel_loop3A_143, %parallel_loop3A_154 : vector<16xi32>
        %parallel_loop3A_156 = tpu.vector_load_idx %arg7[%parallel_loop3A_155] : memref<32768xf32, #tpu.memory_space<vmem>>[vector<16xi32>], vector<16xf32>,
        %parallel_loop3A_157 = arith.constant 0 : i32
        %parallel_loop3A_158 = arith.addi %parallel_loop3A_152, %parallel_loop3A_157 : i32
        %parallel_loop3A_159 = arith.index_cast %parallel_loop3A_158 : i32 to index
        %parallel_loop3A_160 = tpu.vector_load %arg9[%parallel_loop3A_159] {strides = array<i32>} : memref<16384xf32, #tpu.memory_space<vmem>>, vector<16xf32>,
        tpu.vector_store %arg9[%parallel_loop3A_159], %parallel_loop3A_156 {strides = array<i32>} : memref<16384xf32, #tpu.memory_space<vmem>>, vector<16xf32>,
        %parallel_loop3A_161 = arith.constant 128 : i32
        %parallel_loop3A_162 = vector.broadcast %parallel_loop3A_161 : i32 to vector<16xi32>
        %parallel_loop3A_163 = arith.addi %parallel_loop3A_143, %parallel_loop3A_162 : vector<16xi32>
        %parallel_loop3A_164 = tpu.vector_load_idx %arg7[%parallel_loop3A_163] : memref<32768xf32, #tpu.memory_space<vmem>>[vector<16xi32>], vector<16xf32>,
        %parallel_loop3A_165 = arith.constant 128 : i32
        %parallel_loop3A_166 = arith.addi %parallel_loop3A_152, %parallel_loop3A_165 : i32
        %parallel_loop3A_167 = arith.index_cast %parallel_loop3A_166 : i32 to index
        %parallel_loop3A_168 = tpu.vector_load %arg9[%parallel_loop3A_167] {strides = array<i32>} : memref<16384xf32, #tpu.memory_space<vmem>>, vector<16xf32>,
        tpu.vector_store %arg9[%parallel_loop3A_167], %parallel_loop3A_164 {strides = array<i32>} : memref<16384xf32, #tpu.memory_space<vmem>>, vector<16xf32>,
        %parallel_loop3A_169 = arith.constant 256 : i32
        %parallel_loop3A_170 = vector.broadcast %parallel_loop3A_169 : i32 to vector<16xi32>
        %parallel_loop3A_171 = arith.addi %parallel_loop3A_143, %parallel_loop3A_170 : vector<16xi32>
        %parallel_loop3A_172 = tpu.vector_load_idx %arg7[%parallel_loop3A_171] : memref<32768xf32, #tpu.memory_space<vmem>>[vector<16xi32>], vector<16xf32>,
        %parallel_loop3A_173 = arith.constant 256 : i32
        %parallel_loop3A_174 = arith.addi %parallel_loop3A_152, %parallel_loop3A_173 : i32
        %parallel_loop3A_175 = arith.index_cast %parallel_loop3A_174 : i32 to index
        %parallel_loop3A_176 = tpu.vector_load %arg9[%parallel_loop3A_175] {strides = array<i32>} : memref<16384xf32, #tpu.memory_space<vmem>>, vector<16xf32>,
        tpu.vector_store %arg9[%parallel_loop3A_175], %parallel_loop3A_172 {strides = array<i32>} : memref<16384xf32, #tpu.memory_space<vmem>>, vector<16xf32>,
        %parallel_loop3A_177 = arith.constant 384 : i32
        %parallel_loop3A_178 = vector.broadcast %parallel_loop3A_177 : i32 to vector<16xi32>
        %parallel_loop3A_179 = arith.addi %parallel_loop3A_143, %parallel_loop3A_178 : vector<16xi32>
        %parallel_loop3A_180 = tpu.vector_load_idx %arg7[%parallel_loop3A_179] : memref<32768xf32, #tpu.memory_space<vmem>>[vector<16xi32>], vector<16xf32>,
        %parallel_loop3A_181 = arith.constant 384 : i32
        %parallel_loop3A_182 = arith.addi %parallel_loop3A_152, %parallel_loop3A_181 : i32
        %parallel_loop3A_183 = arith.index_cast %parallel_loop3A_182 : i32 to index
        %parallel_loop3A_184 = tpu.vector_load %arg9[%parallel_loop3A_183] {strides = array<i32>} : memref<16384xf32, #tpu.memory_space<vmem>>, vector<16xf32>,
        tpu.vector_store %arg9[%parallel_loop3A_183], %parallel_loop3A_180 {strides = array<i32>} : memref<16384xf32, #tpu.memory_space<vmem>>, vector<16xf32>,
        %parallel_loop3A_185 = arith.constant 512 : i32
        %parallel_loop3A_186 = vector.broadcast %parallel_loop3A_185 : i32 to vector<16xi32>
        %parallel_loop3A_187 = arith.addi %parallel_loop3A_143, %parallel_loop3A_186 : vector<16xi32>
        %parallel_loop3A_188 = tpu.vector_load_idx %arg7[%parallel_loop3A_187] : memref<32768xf32, #tpu.memory_space<vmem>>[vector<16xi32>], vector<16xf32>,
        %parallel_loop3A_189 = arith.constant 512 : i32
        %parallel_loop3A_190 = arith.addi %parallel_loop3A_152, %parallel_loop3A_189 : i32
        %parallel_loop3A_191 = arith.index_cast %parallel_loop3A_190 : i32 to index
        %parallel_loop3A_192 = tpu.vector_load %arg9[%parallel_loop3A_191] {strides = array<i32>} : memref<16384xf32, #tpu.memory_space<vmem>>, vector<16xf32>,
        tpu.vector_store %arg9[%parallel_loop3A_191], %parallel_loop3A_188 {strides = array<i32>} : memref<16384xf32, #tpu.memory_space<vmem>>, vector<16xf32>,
        %parallel_loop3A_193 = arith.constant 640 : i32
        %parallel_loop3A_194 = vector.broadcast %parallel_loop3A_193 : i32 to vector<16xi32>
        %parallel_loop3A_195 = arith.addi %parallel_loop3A_143, %parallel_loop3A_194 : vector<16xi32>
        %parallel_loop3A_196 = tpu.vector_load_idx %arg7[%parallel_loop3A_195] : memref<32768xf32, #tpu.memory_space<vmem>>[vector<16xi32>], vector<16xf32>,
        %parallel_loop3A_197 = arith.constant 640 : i32
        %parallel_loop3A_198 = arith.addi %parallel_loop3A_152, %parallel_loop3A_197 : i32
        %parallel_loop3A_199 = arith.index_cast %parallel_loop3A_198 : i32 to index
        %parallel_loop3A_200 = tpu.vector_load %arg9[%parallel_loop3A_199] {strides = array<i32>} : memref<16384xf32, #tpu.memory_space<vmem>>, vector<16xf32>,
        tpu.vector_store %arg9[%parallel_loop3A_199], %parallel_loop3A_196 {strides = array<i32>} : memref<16384xf32, #tpu.memory_space<vmem>>, vector<16xf32>,
        %parallel_loop3A_201 = arith.constant 768 : i32
        %parallel_loop3A_202 = vector.broadcast %parallel_loop3A_201 : i32 to vector<16xi32>
        %parallel_loop3A_203 = arith.addi %parallel_loop3A_143, %parallel_loop3A_202 : vector<16xi32>
        %parallel_loop3A_204 = tpu.vector_load_idx %arg7[%parallel_loop3A_203] : memref<32768xf32, #tpu.memory_space<vmem>>[vector<16xi32>], vector<16xf32>,
        %parallel_loop3A_205 = arith.constant 768 : i32
        %parallel_loop3A_206 = arith.addi %parallel_loop3A_152, %parallel_loop3A_205 : i32
        %parallel_loop3A_207 = arith.index_cast %parallel_loop3A_206 : i32 to index
        %parallel_loop3A_208 = tpu.vector_load %arg9[%parallel_loop3A_207] {strides = array<i32>} : memref<16384xf32, #tpu.memory_space<vmem>>, vector<16xf32>,
        tpu.vector_store %arg9[%parallel_loop3A_207], %parallel_loop3A_204 {strides = array<i32>} : memref<16384xf32, #tpu.memory_space<vmem>>, vector<16xf32>,
        %parallel_loop3A_209 = arith.constant 896 : i32
        %parallel_loop3A_210 = vector.broadcast %parallel_loop3A_209 : i32 to vector<16xi32>
        %parallel_loop3A_211 = arith.addi %parallel_loop3A_143, %parallel_loop3A_210 : vector<16xi32>
        %parallel_loop3A_212 = tpu.vector_load_idx %arg7[%parallel_loop3A_211] : memref<32768xf32, #tpu.memory_space<vmem>>[vector<16xi32>], vector<16xf32>,
        %parallel_loop3A_213 = arith.constant 896 : i32
        %parallel_loop3A_214 = arith.addi %parallel_loop3A_152, %parallel_loop3A_213 : i32
        %parallel_loop3A_215 = arith.index_cast %parallel_loop3A_214 : i32 to index
        %parallel_loop3A_216 = tpu.vector_load %arg9[%parallel_loop3A_215] {strides = array<i32>} : memref<16384xf32, #tpu.memory_space<vmem>>, vector<16xf32>,
        tpu.vector_store %arg9[%parallel_loop3A_215], %parallel_loop3A_212 {strides = array<i32>} : memref<16384xf32, #tpu.memory_space<vmem>>, vector<16xf32>,
      } {sc.loop_unroll_factor = 4 : i64, sc.parallel_access}
      %mul3A_121 = arith.constant 32768 : i32
      %mul3A_122 = arith.muli %add3A_80, %mul3A_121 : i32
      %add3A_123 = arith.addi %mul3A_4, %mul3A_122 : i32
      %add3A_124 = arith.constant 16384 : i32
      %add3A_125 = arith.addi %add3A_123, %add3A_124 : i32
      %dma_start3A_126 = arith.constant 1 : i32
      %dma_start3A_127 = tpu.memref_slice %arg4[%add3A_125] : memref<67108864xf32, #tpu.memory_space<hbm>> -> memref<16384xf32, #tpu.memory_space<hbm>>
      %dma_start3A_128 = tpu.memref_slice %arg11[%dma_start3A_126] : memref<2x!tpu.dma_semaphore, #tpu.memory_space<semaphore_mem>> -> memref<1x!tpu.dma_semaphore, #tpu.memory_space<semaphore_mem>>
      %dma_start3A_129 = tpu.memref_squeeze %dma_start3A_128 : memref<1x!tpu.dma_semaphore, #tpu.memory_space<semaphore_mem>> -> memref<!tpu.dma_semaphore, #tpu.memory_space<semaphore_mem>>
      %dma_start3A_130 = tpu.memref_slice %arg4[%add3A_125] : memref<67108864xf32, #tpu.memory_space<hbm>> -> memref<16384xf32, #tpu.memory_space<hbm>>
      tpu.enqueue_dma source(%arg9 : memref<16384xf32, #tpu.memory_space<vmem>>) target(%dma_start3A_130 : memref<16384xf32, #tpu.memory_space<hbm>>) target_semaphore(%dma_start3A_129 : memref<!tpu.dma_semaphore, #tpu.memory_space<semaphore_mem>>)
    }
    %scan3A_13 = arith.constant 32 : i32
    %dma_wait3A = arith.constant 0 : i32
    %dma_wait3A_14 = arith.constant 0 : i32
    %dma_wait3A_15 = tpu.memref_slice %arg4[%dma_wait3A_14] : memref<67108864xf32, #tpu.memory_space<hbm>> -> memref<16384xf32, #tpu.memory_space<hbm>>
    %dma_wait3A_16 = tpu.memref_slice %arg11[%dma_wait3A] : memref<2x!tpu.dma_semaphore, #tpu.memory_space<semaphore_mem>> -> memref<1x!tpu.dma_semaphore, #tpu.memory_space<semaphore_mem>>
    %dma_wait3A_17 = tpu.memref_squeeze %dma_wait3A_16 : memref<1x!tpu.dma_semaphore, #tpu.memory_space<semaphore_mem>> -> memref<!tpu.dma_semaphore, #tpu.memory_space<semaphore_mem>>
    %dma_wait3A_18 = arith.constant 0 : i32
    %dma_wait3A_19 = tpu.memref_slice %arg4[%dma_wait3A_18] : memref<67108864xf32, #tpu.memory_space<hbm>> -> memref<16384xf32, #tpu.memory_space<hbm>>
    tpu.wait_dma2 semaphore(%dma_wait3A_17 : memref<!tpu.dma_semaphore, #tpu.memory_space<semaphore_mem>>) src(%arg8 : memref<16384xf32, #tpu.memory_space<vmem>>) dst(%dma_wait3A_19 : memref<16384xf32, #tpu.memory_space<hbm>>)
    %dma_wait3A_20 = arith.constant 1 : i32
    %dma_wait3A_21 = arith.constant 0 : i32
    %dma_wait3A_22 = tpu.memref_slice %arg4[%dma_wait3A_21] : memref<67108864xf32, #tpu.memory_space<hbm>> -> memref<16384xf32, #tpu.memory_space<hbm>>
    %dma_wait3A_23 = tpu.memref_slice %arg11[%dma_wait3A_20] : memref<2x!tpu.dma_semaphore, #tpu.memory_space<semaphore_mem>> -> memref<1x!tpu.dma_semaphore, #tpu.memory_space<semaphore_mem>>
    %dma_wait3A_24 = tpu.memref_squeeze %dma_wait3A_23 : memref<1x!tpu.dma_semaphore, #tpu.memory_space<semaphore_mem>> -> memref<!tpu.dma_semaphore, #tpu.memory_space<semaphore_mem>>
    %dma_wait3A_25 = arith.constant 0 : i32
    %dma_wait3A_26 = tpu.memref_slice %arg4[%dma_wait3A_25] : memref<67108864xf32, #tpu.memory_space<hbm>> -> memref<16384xf32, #tpu.memory_space<hbm>>
    tpu.wait_dma2 semaphore(%dma_wait3A_24 : memref<!tpu.dma_semaphore, #tpu.memory_space<semaphore_mem>>) src(%arg9 : memref<16384xf32, #tpu.memory_space<vmem>>) dst(%dma_wait3A_26 : memref<16384xf32, #tpu.memory_space<hbm>>)
    return
  }
}

</mosaic_0001>

<sc_bundles>
// kernel: kernel.3.cloned.1.call-start
scs
__scs_entry_jumppad:
0x0: {  	(pc) =	sbr.rel $0x88, $3  }
0x1: {  	(tag) =	ssettag $0x0;
	lr =	simm.s32 $0x1  }
0x2: {  	[smem:$0x3F9F] =	sst lr;
	_ =	strace $0xD0000000  }
0x3: {  	_ = 	snop  }
0x4: {  	_ = 	snop  }
0x5: {  	_ = 	snop  }
0x6: {  	_ = 	snop  }
0x7: {  	_ = 	snop  }
__scs_overlays_trampoline_lowered:
0x8: {  	[smem:$0x3FAE] =	sst s0  }
0x9: {  	[smem:$0x3FAF] =	sst s1  }
0xa: {  	[smem:$0x3FB0] =	sst s2  }
0xb: {  	[smem:$0x3FB1] =	sst s3  }
0xc: {  	[smem:$0x3FB2] =	sst s4  }
0xd: {  	[smem:$0x3FB3] =	sst s5  }
0xe: {  	[smem:$0x3FB4] =	sst s6  }
0xf: {  	[smem:$0x3FB5] =	sst s7  }
0x10: {  	[smem:$0x3FB6] =	sst s8  }
0x11: {  	[smem:$0x3FB7] =	sst s9;
	s0 =	simm.s32 @!p0 $0x0  }
0x12: {  	s1 =	sld [smem:$0x3F9D];
	s0 =	simm.s32 @p0 $0x1  }
0x13: {  	[smem:$0x3FB8] =	sst s0;
	s0 =	simm.s32 @!p1 $0x0  }
0x14: {  	s2 =	sld [smem:$0x3F9C];
	s0 =	simm.s32 @p1 $0x1  }
0x15: {  	[smem:$0x3FB9] =	sst s0;
	s0 =	simm.s32 @!p2 $0x0  }
0x16: {  	s3 =	sld [smem:$0x3FDB];
	s0 =	simm.s32 @p2 $0x1  }
0x17: {  	s4 =	simm.s32 $0x1BF5;
	[smem:$0x3FBB] =	sst s0  }
0x18: {  	s0 =	sld [smem:$0x3F9E];
	_ =	swait.ge [sflag:s4], $0x0  }
0x19: {  	s7 =	sld [smem:$0x3F9F]  }
0x1a: {  	s8 =	sadd.s32 $0xFFFFE003, lr  }
0x1b: {  	s9 =	sadd.s32 $0xFFFFFEF7, lr;
	s5 =	simm.s32 $0xFFFFFFFF;
	p2 =	slt.u32 s8, $0xFFFFF086  }
0x1c: {  	p1 =	slt.u32 s9, $0xF7A;
	s5 =	simm.s32 @!p2 $0x0  }
0x1d: {  	s5 =	simm.s32 @p1 $0x1;
	p0 =	seq.s32 s7, s2  }
0x1e: {  	s7 =	smul.u32 @!p0 $0xF7A, s2;
	p2 =	seq.s32 @!p0 s5, $0x0  }
0x1f: {  	s9 =	smul.u32 $0xF7A, s1;
	s8 =	simm.s32 @!p0 $0x1BF5;
	p2 =	por !p2, p0  }
0x20: {  	[sflag:s8] =	ssyncset.s32 @!p0 $0xFFFFF086;
	s6 =	sadd.s32 @!p0 s3, s7;
	s7 =	simm.s32 @!p0 $0x108  }
0x21: {  	s3 =	sadd.s32 s3, s9;
	s6 =	sadd.s32 @!p0 $0x88, s6;
	s7 =	simm.s32 @p2 $0x1082  }
0x22: {  	[simem:s7], [sflag:s8] =	dma.local @!p0 [hbm:s6], $0xF7A  }
0x23: {  	s9 =	sor.u32 $0xD0000000, s2;
	s6 =	simm.s32 $0x108;
	_ =	swait.ge @!p0 [sflag:s8], $0x0  }
0x24: {  	s3 =	sadd.s32 $0x88, s3;
	s6 =	simm.s32 @!p1 $0x1082;
	[sflag:s4] =	ssyncset.s32 $0xFFFFF086  }
0x25: {  	[simem:s6], [sflag:s4] =	dma.local [hbm:s3], $0xF7A  }
0x26: {  	[smem:$0x3F9F] =	sst s1;
	(tag) =	ssettag s2;
	_ =	strace s9  }
0x27: {  	s1 =	sld [smem:$0x3FAF]  }
0x28: {  	s2 =	sld [smem:$0x3FB0]  }
0x29: {  	s4 =	sld [smem:$0x3FB2]  }
0x2a: {  	p0 =	seq.s32 s5, $0x0;
	s5 =	sld [smem:$0x3FB3]  }
0x2b: {  	s6 =	sld [smem:$0x3FB4]  }
0x2c: {  	s7 =	sld [smem:$0x3FB5]  }
0x2d: {  	s3 =	simm.s32 $0x108;
	s8 =	sld [smem:$0x3FB6]  }
0x2e: {  	s3 =	simm.s32 @!p0 $0x1082;
	s9 =	sld [smem:$0x3FB7]  }
0x2f: {  	lr =	sadd.s32 s0, s3;
	s0 =	sld [smem:$0x3FAE]  }
0x30: {  	s3 =	sld [smem:$0x3FB1]  }
0x31: {  	[smem:$0x3FBA] =	sst s10  }
0x32: {  	s10 =	sld [smem:$0x3FB8];
	_ =	sdelay $0x3  }
0x33: {  	p0 =	seq.s32 s10, $0x1;
	s10 =	sld [smem:$0x3FBA];
	_ =	sdelay $0x3  }
0x34: {  	[smem:$0x3FBA] =	sst s10  }
0x35: {  	s10 =	sld [smem:$0x3FB9];
	_ =	sdelay $0x3  }
0x36: {  	p1 =	seq.s32 s10, $0x1;
	s10 =	sld [smem:$0x3FBA];
	_ =	sdelay $0x3  }
0x37: {  	[smem:$0x3FBA] =	sst s10  }
0x38: {  	s10 =	sld [smem:$0x3FBB]  }
0x39: {  	_ = 	snop;
	(pc) =	sbr.ind lr, $3  }
0x3a: {  	_ = 	snop  }
0x3b: {  	_ = 	snop  }
0x3c: {  	p2 =	seq.s32 s10, $0x1;
	s10 =	sld [smem:$0x3FBA]  }
0x3d: {  	_ =	shalt  }
0x3e: {  	_ =	shalt  }
0x3f: {  	_ =	shalt  }
0x40: {  	_ =	shalt  }
0x41: {  	_ =	shalt  }
0x42: {  	_ =	shalt  }
0x43: {  	_ =	shalt  }
0x44: {  	_ =	shalt  }
0x45: {  	_ =	shalt  }
0x46: {  	_ =	shalt  }
0x47: {  	_ =	shalt  }
0x48: {  	_ =	shalt  }
0x49: {  	_ =	shalt  }
0x4a: {  	_ =	shalt  }
0x4b: {  	_ =	shalt  }
0x4c: {  	_ =	shalt  }
0x4d: {  	_ =	shalt  }
0x4e: {  	_ =	shalt  }
0x4f: {  	_ =	shalt  }
0x50: {  	_ =	shalt  }
0x51: {  	_ =	shalt  }
0x52: {  	_ =	shalt  }
0x53: {  	_ =	shalt  }
0x54: {  	_ =	shalt  }
0x55: {  	_ =	shalt  }
0x56: {  	_ =	shalt  }
0x57: {  	_ =	shalt  }
0x58: {  	_ =	shalt  }
0x59: {  	_ =	shalt  }
0x5a: {  	_ =	shalt  }
0x5b: {  	_ =	shalt  }
0x5c: {  	_ =	shalt  }
0x5d: {  	_ =	shalt  }
0x5e: {  	_ =	shalt  }
0x5f: {  	_ =	shalt  }
0x60: {  	_ =	shalt  }
0x61: {  	_ =	shalt  }
0x62: {  	_ =	shalt  }
0x63: {  	_ =	shalt  }
0x64: {  	_ =	shalt  }
0x65: {  	_ =	shalt  }
0x66: {  	_ =	shalt  }
0x67: {  	_ =	shalt  }
0x68: {  	_ =	shalt  }
0x69: {  	_ =	shalt  }
0x6a: {  	_ =	shalt  }
0x6b: {  	_ =	shalt  }
0x6c: {  	_ =	shalt  }
0x6d: {  	_ =	shalt  }
0x6e: {  	_ =	shalt  }
0x6f: {  	_ =	shalt  }
0x70: {  	_ =	shalt  }
0x71: {  	_ =	shalt  }
0x72: {  	_ =	shalt  }
0x73: {  	_ =	shalt  }
0x74: {  	_ =	shalt  }
0x75: {  	_ =	shalt  }
0x76: {  	_ =	shalt  }
0x77: {  	_ =	shalt  }
0x78: {  	_ =	shalt  }
0x79: {  	_ =	shalt  }
0x7a: {  	_ =	shalt  }
0x7b: {  	_ =	shalt  }
0x7c: {  	_ =	shalt  }
0x7d: {  	_ =	shalt  }
0x7e: {  	_ =	shalt  }
0x7f: {  	_ =	shalt  }
0x80: {  	_ =	shalt  }
0x81: {  	_ =	shalt  }
0x82: {  	_ =	shalt  }
0x83: {  	_ =	shalt  }
0x84: {  	_ =	shalt  }
0x85: {  	_ =	shalt  }
0x86: {  	_ =	shalt  }
0x87: {  	_ =	shalt  }
.Lfunc_end0:
.L_simem_size_0:
called_computation_lowered:
.L_overlay_start_0:
0x88: {  	s2 =	sld [smem:$0x3FD9]  }
0x89: {  	s3 =	sld [smem:$0x3FFE];
	_ =	sdelay $0x1  }
0x8a: {  	s1 =	srdreg.scid  }
0x8b: {  	s0 =	sand.u32 $0x1, s1  }
0x8c: {  	s15 =	sshll.u32 s0, $0xA;
	s2 =	sadd.s32 s3, s2  }
0x8d: {  	s2 =	sadd.s32 s2, s15  }
0x8e: {  	[smem:$0x3FC6] =	sst s2  }
0x8f: {  	_ = 	snop  }
0x90: {  	s2 =	sld [smem:$0x3FD0];
	_ =	sdelay $0x1  }
0x91: {  	s16 =	sld [smem:$0x3FC9]  }
0x92: {  	s5 =	simm.s32 $0xA;
	s6 =	simm.s32 $0x10;
	s4 =	sld [smem:$0x3FC8]  }
0x93: {  	[smem:s6], [sflag:s5] =	dma.local [hbm:s2], $0x1  }
0x94: {  	_ =	swait.eq [sflag:s5], $0x1  }
0x95: {  	[sflag:s5] =	ssyncset.done $0x0  }
0x96: {  	[sflag:s5] =	ssyncadd.s32 $0xFFFFFFFF  }
0x97: {  	s17 =	sld [smem:$0x10];
	(tm) =	ssettm $0x1  }
0x98: {  	s18 =	sld [smem:$0x3FFB];
	_ =	sdelay $0x3  }
0x99: {  	_ =	strace s18  }
0x9a: {  	s5 =	sld [smem:$0x3FFC];
	_ =	sdelay $0x3  }
0x9b: {  	_ =	strace s5  }
0x9c: {  	s5 =	sld [smem:$0x3FFD];
	_ =	sdelay $0x3  }
0x9d: {  	_ =	strace s5  }
0x9e: {  	_ =	strace $0x8FFFFFFF  }
0x9f: {  	s19 =	sld [smem:$0x3FDB];
	_ =	sdelay $0x1  }
0xa0: {  	s20 =	simm.s32 $_scs_section_size  }
0xa1: {  	s7 =	simm.s32 $_size__tile_overlayer_lowered;
	s8 =	simm.s32 $_tile_overlayer_lowered  }
0xa2: {  	s23 =	simm.s32 $0x1BFF;
	s22 =	sshll.u32 s8, $0x1;
	s5 =	sadd.s32 s20, s19  }
0xa3: {  	s9 =	simm.s32 $0x0;
	s21 =	sshll.u32 s7, $0x1;
	s7 =	sadd.s32 s22, s5  }
0xa4: {  	[timem:s9], [sflag:s23] =	dma.local [hbm:s7], s21  }
0xa5: {  	_ =	swait.ge [sflag:s23], s21  }
0xa6: {  	s6 =	ssub.s32 $0x0, s21;
	[sflag:s23] =	ssyncset.done $0x0  }
0xa7: {  	[sflag:s23] =	ssyncadd.s32 s6;
	_ =	sdelay $0x1  }
0xa8: {  	s24 =	simm.s32 $0x1B8B  }
0xa9: {  	_ =	swait.ge [sflag:s24], $0x1  }
0xaa: {  	[sflag:s24] =	ssyncset.done $0x0  }
0xab: {  	s25 =	simm.s32 $0x1B8E;
	[sflag:s24] =	ssyncadd.s32 $0xFFFFFFFF  }
0xac: {  	s26 =	simm.s32 $execute0_lowered;
	[smem:$0x3FD2] =	sst s25  }
0xad: {  	s6 =	sshll.u32 s26, $0x1;
	_ =	strace $0x80000046;
	[dreg:$0x1] =	wrdreg $0xFFFFFFFF  }
0xae: {  	s28 =	simm.s32 $_size_execute0_lowered;
	s5 =	sadd.s32 s5, s6;
	[dreg:$0x0] =	wrdreg $0x0  }
0xaf: {  	s6 =	sshll.u32 s28, $0x1;
	[dreg:$0x2] =	wrdreg s5  }
0xb0: {  	[dreg:$0x3] =	wrdreg s6  }
0xb1: {  	[dreg:$0x4] =	wrdreg $0xC0  }
0xb2: {  	_ =	task [dreg:s9], $0x5FFFF  }
0xb3: {  	[dreg:$0x1] =	wrdreg $0xFFFFFFFF  }
0xb4: {  	[dreg:$0x0] =	wrdreg $0x60  }
0xb5: {  	[dreg:$0x2] =	wrdreg s16  }
0xb6: {  	[dreg:$0x3] =	wrdreg s4  }
0xb7: {  	[dreg:$0x4] =	wrdreg s17  }
0xb8: {  	[dreg:$0x5] =	wrdreg $0x9  }
0xb9: {  	_ =	task.clear_ibuf [dreg:s9], $0x6FFFF;
	_ =	strace $0x90000046  }
0xba: {  	s29 =	simm.s32 $0x9;
	_ =	strace $0x80000048  }
0xbb: {  	_ =	swait.ge [sflag:s29], $0x1  }
0xbc: {  	[sflag:s29] =	ssyncadd.s32 $0xFFFFFFFF  }
0xbd: {  	_ =	strace $0x90000048  }
0xbe: {  	_ =	sfence  }
0xbf: {  	s30 =	sld [smem:$0x0];
	_ =	sdelay $0x2  }
0xc0: {  	s31 =	sshll.u32 s1, $0xD;
	s1 =	sshrl.u32 s1, $0x2  }
0xc1: {  	s3 =	sand.u32 $0x4000, s31;
	s1 =	sadd.s32 s1, s30  }
0xc2: {  	s0 =	sor.u32 s3, s0;
	s1 =	sshll.u32 s1, $0x11  }
0xc3: {  	s0 =	sor.u32 s1, s0  }
0xc4: {  	s0 =	sadd.s32 $0x8F2B, s0  }
0xc5: {  	[sflag:s0] =	ssyncadd.remote.s32 $0x1  }
0xc6: {  	_ =	sfence.sel $0xFFFF  }
0xc7: {  	[dreg:$0x0] =	wrdreg $0xFFFFFFFF;
	(pc) =	sbr.abs _section_cstart, $3  }
0xc8: {  	[dreg:$0x1] =	wrdreg $0xFFFFFFFF  }
0xc9: {  	_ =	task.clear_ibuf [dreg:s9], $0x2FFFF;
	_ =	strace $0x9FFFFFFF  }
0xca: {  	(tm) =	ssettm $0x7FFFFFFF  }
0xcb: {  	_ =	shalt  }
tec
execute0_lowered:
.L_overlay_start_1:
0x0: {  	(tag) =	ssettag $0x1  }
0x1: {  	s4 =	rddreg [dreg:$0x0]  }
0x2: {  	s5 =	rddreg [dreg:$0x2]  }
0x3: {  	s0 =	srdreg.scid;
	s21 =	simm.s32 $0x0;
	s2 =	stileid.u32  }
0x4: {  	s0 =	sand.u32 $0x1, s0;
	s2 =	sshll.u32 s2, $0x16;
	[smem:$0x7FF] =	sst s21  }
0x5: {  	s30 =	sadd.s32 $0x800, s5;
	s1 =	ssub.s32 $0x2, s0;
	s0 =	sshll.u32 s0, $0x15  }
0x6: {  	_ =	strace $0x80000047;
	[dreg:$0xa] =	wrdreg s30;
	s2 =	sor.u32 s0, s2  }
0x7: {  	s3 =	sshrl.u32 s1, $0x1;
	s29 =	sor.u32 $0x8000, s2;
	[dreg:$0x7] =	wrdreg s2  }
0x8: {  	s28 =	sshrl.u32 s2, $0x3;
	s31 =	sor.u32 $0x10000, s2;
	[dreg:$0x9] =	wrdreg s29  }
0x9: {  	s26 =	ssub.s32 s1, s3;
	s1 =	sadd.s32 s4, s28;
	[dreg:$0xb] =	wrdreg s31  }
0xa: {  	s13 =	simm.s32 $0x1000;
	s0 =	smax.u32 s26, $0x1;
	[dreg:$0x8] =	wrdreg s1  }
0xb: {  	s14 =	simm.s32 $0x9000;
	s2 =	simm.s32 $0x0;
	[dreg:$0xc] =	wrdreg s0  }
.LBB2_1:
0xc: {  	[dreg:$0xd] =	wrdreg s2  }
0xd: {  	s0 =	rddreg [dreg:$0x1];
	s30 =	simm.s32 $0x5  }
0xe: {  	[tilespmem:s21], [sflag:$0x5] =	stream.linear.gather [hbm4b:s0+s21], $0x1000, $0x38;
	[tilespmem:$0x19000] =	vst v63  }
0xf: {  	_ =	swait.ge [sflag:s30], $0x1000  }
0x10: {  	[sflag:s30] =	ssyncset.done $0x0  }
0x11: {  	s1 =	simm.s32 $0x0;
	s31 =	rddreg [dreg:$0x8];
	[sflag:s30] =	ssyncadd.s32 $0xFFFFF000  }
0x12: {  	[tilespmem:s13], [sflag:$0x1] =	stream.linear.gather [hbm4b:s31+s21], $0x8000, $0x38;
	[tilespmem:$0x19000] =	vst v63  }
.LBB2_2:
0x13: {  	s2 =	sshll.u32 s1, $0x10;
	s0 =	rddreg [dreg:$0x9]  }
0x14: {  	s12 =	rddreg [dreg:$0x0];
	s0 =	sadd.s32 s0, s2  }
0x15: {  	[dreg:$0x10] =	wrdreg s2;
	s2 =	sshrl.u32 s0, $0x3  }
0x16: {  	s15 =	simm.s32 $0x1;
	[dreg:$0xf] =	wrdreg s2;
	s0 =	sadd.s32 s12, s2  }
0x17: {  	[tilespmem:s14], [sflag:$0x2] =	stream.linear.gather [hbm4b:s0+s21], $0x8000, $0x38;
	[tilespmem:$0x19000] =	vst v63  }
0x18: {  	_ =	swait.ge [sflag:s15], $0x8000  }
0x19: {  	p0 =	seq.s32 s1, $0x0;
	[sflag:s15] =	ssyncset.done $0x0  }
0x1a: {  	s0 =	simm.s32 @!p0 $0x3;
	[dreg:$0xe] =	wrdreg s1;
	[sflag:s15] =	ssyncadd.s32 $0xFFFF8000  }
0x1b: {  	_ =	swait.ge @!p0 [sflag:s0], $0x4000  }
0x1c: {  	[sflag:s0] =	ssyncset.done @!p0 $0x0  }
0x1d: {  	s16 =	simm.s32 $0x20;
	[sflag:s0] =	ssyncadd.s32 @!p0 $0xFFFFC000  }
0x1e: {  	v0 =	vld [tilespmem:s16+$0x10];
	_ =	sdelay $0x3  }
0x1f: {  	v1 =	vld [tilespmem:s16+$0xFFFFFFE0]  }
0x20: {  	v2 =	vld [tilespmem:s16+$0xFFFFFFF0];
	v3 =	vshll.u32 v0, $0x3  }
0x21: {  	v0 =	vand.u32 $0x7F, v0;
	v3 =	vand.u32 $0xFFFFFC00, v3  }
0x22: {  	v4 =	vor.u32 v0, v3;
	v0 =	vld [tilespmem:s16+$0x0];
	_ =	sdelay $0x1  }
0x23: {  	v3 =	vshll.u32 v1, $0x3  }
0x24: {  	v5 =	vshll.u32 v2, $0x3;
	v1 =	vand.u32 $0x7F, v1;
	v3 =	vand.u32 $0xFFFFFC00, v3  }
0x25: {  	v6 =	vand.u32 $0x7F, v2;
	v5 =	vand.u32 $0xFFFFFC00, v5;
	v2 =	vor.u32 v1, v3  }
0x26: {  	v1 =	vor.u32 v6, v5;
	v5 =	vld.idx.msk [tilespmem:v4+s13+$0x0], $0xffff;
	v3 =	vshll.u32 v0, $0x3  }
0x27: {  	s25 =	simm.s32 $0x0;
	v6 =	vor.u32 $0x80, v4;
	v0 =	vand.u32 $0x7F, v0;
	v3 =	vand.u32 $0xFFFFFC00, v3  }
0x28: {  	s18 =	simm.s32 $0x30;
	s17 =	sand.u32 $0x3C00, s25;
	v3 =	vor.u32 v0, v3  }
0x29: {  	s1 =	sand.u32 $0x70, s18;
	s0 =	sadd.s32 $0x11000, s17  }
0x2a: {  	s3 =	sor.u32 s1, s0;
	v0 =	vld.idx.msk [tilespmem:v2+s13+$0x0], $0xffff  }
0x2b: {  	v7 =	vor.u32 $0x80, v2;
	v8 =	vld.idx.msk [tilespmem:v1+s13+$0x0], $0xffff;
	[tilespmem:s3+$0x0] =	vst v5  }
0x2c: {  	s19 =	simm.s32 $0x0;
	v5 =	vor.u32 $0x80, v1;
	v6 =	vld.idx.msk [tilespmem:v6+s13+$0x0], $0xffff  }
0x2d: {  	s20 =	simm.s32 $0x10;
	s1 =	sand.u32 $0x40, s19;
	v9 =	vor.u32 $0x100, v4;
	v10 =	vld.idx.msk [tilespmem:v3+s13+$0x0], $0xffff  }
0x2e: {  	s4 =	sand.u32 $0x50, s20;
	s21 =	sor.u32 s1, s0;
	v11 =	vor.u32 $0x80, v3  }
0x2f: {  	s23 =	simm.s32 $0x20;
	s22 =	sor.u32 s4, s0;
	[tilespmem:s21+$0x0] =	vst v0  }
0x30: {  	s4 =	sand.u32 $0x60, s23;
	[tilespmem:s22+$0x0] =	vst v8;
	v0 =	vld.idx.msk [tilespmem:v7+s13+$0x0], $0xffff  }
0x31: {  	s0 =	sor.u32 s4, s0;
	v7 =	vor.u32 $0x100, v2;
	v5 =	vld.idx.msk [tilespmem:v5+s13+$0x0], $0xffff;
	[tilespmem:s3+$0x80] =	vst v6  }
0x32: {  	v6 =	vor.u32 $0x100, v1;
	v8 =	vld.idx.msk [tilespmem:v9+s13+$0x0], $0xffff;
	[tilespmem:s0+$0x0] =	vst v10  }
0x33: {  	v10 =	vld.idx.msk [tilespmem:v11+s13+$0x0], $0xffff  }
0x34: {  	s24 =	simm.s32 $0x60;
	v9 =	vor.u32 $0x180, v4  }
0x35: {  	v13 =	vld [tilespmem:s24+$0xFFFFFFF0];
	[tilespmem:s21+$0x80] =	vst v0  }
0x36: {  	v11 =	vor.u32 $0x100, v3;
	v0 =	vld.idx.msk [tilespmem:v7+s13+$0x0], $0xffff;
	[tilespmem:s22+$0x80] =	vst v5  }
0x37: {  	v5 =	vld.idx.msk [tilespmem:v6+s13+$0x0], $0xffff;
	[tilespmem:s3+$0x100] =	vst v8  }
0x38: {  	v8 =	vld [tilespmem:s24+$0x10];
	[tilespmem:s0+$0x80] =	vst v10;
	v10 =	vor.u32 $0x180, v2  }
0x39: {  	v12 =	vor.u32 $0x180, v1;
	v6 =	vld.idx.msk [tilespmem:v9+s13+$0x0], $0xffff  }
0x3a: {  	v15 =	vld [tilespmem:s24+$0x0];
	v7 =	vor.u32 $0x200, v4  }
0x3b: {  	v9 =	vld.idx.msk [tilespmem:v11+s13+$0x0], $0xffff  }
0x3c: {  	v11 =	vld [tilespmem:s24+$0xFFFFFFE0];
	[tilespmem:s21+$0x100] =	vst v0  }
0x3d: {  	[tilespmem:s22+$0x100] =	vst v5;
	v14 =	vshll.u32 v8, $0x3;
	v5 =	vld.idx.msk [tilespmem:v10+s13+$0x0], $0xffff  }
0x3e: {  	v8 =	vand.u32 $0x7F, v8;
	[tilespmem:s3+$0x180] =	vst v6;
	v6 =	vor.u32 $0x180, v3;
	v0 =	vand.u32 $0xFFFFFC00, v14;
	v10 =	vld.idx.msk [tilespmem:v12+s13+$0x0], $0xffff  }
0x3f: {  	s26 =	sand.u32 $0x7, s25;
	v7 =	vld.idx.msk [tilespmem:v7+s13+$0x0], $0xffff;
	v0 =	vor.u32 v8, v0  }
0x40: {  	v18 =	vshll.u32 v15, $0x3;
	s3 =	sshll.u32 s26, $0x4;
	v8 =	vor.u32 $0x200, v1  }
0x41: {  	v16 =	vor.u32 $0x280, v4;
	v17 =	vor.u32 $0x200, v2;
	s3 =	sadd.s32 $0x0, s3;
	v12 =	vshll.u32 v11, $0x3;
	[tilespmem:s0+$0x100] =	vst v9  }
0x42: {  	v14 =	vshll.u32 v13, $0x3;
	v11 =	vand.u32 $0x7F, v11;
	s4 =	sadd.s32 $0x30, s3;
	v9 =	vand.u32 $0xFFFFFC00, v12;
	[tilespmem:s21+$0x180] =	vst v5  }
0x43: {  	v13 =	vand.u32 $0x7F, v13;
	v12 =	vand.u32 $0xFFFFFC00, v14;
	s5 =	sor.u32 $0x200, s4;
	v14 =	vor.u32 v11, v9;
	v6 =	vld.idx.msk [tilespmem:v6+s13+$0x0], $0xffff;
	[tilespmem:s22+$0x180] =	vst v10  }
0x44: {  	v13 =	vor.u32 v13, v12;
	v9 =	vand.u32 $0x7F, v15;
	[tilespmem:s5+$0x11000] =	vst v7;
	v7 =	vand.u32 $0xFFFFFC00, v18;
	v5 =	vld.idx.msk [tilespmem:v0+s13+$0x0], $0xffff  }
0x45: {  	v8 =	vld.idx.msk [tilespmem:v8+s13+$0x0], $0xffff;
	v19 =	vor.u32 v9, v7  }
0x46: {  	s26 =	simm.s32 $0x200;
	v10 =	vor.u32 $0x80, v0;
	v11 =	vld.idx.msk [tilespmem:v16+s13+$0x0], $0xffff  }
0x47: {  	p1 =	por $0x0, $0x0;
	s7 =	simm.s32 $0x70;
	s6 =	sand.u32 $0x3C00, s26;
	v7 =	vld.idx.msk [tilespmem:v17+s13+$0x0], $0xffff;
	v9 =	vor.u32 $0x300, v4  }
0x48: {  	s8 =	sand.u32 $0x70, s7;
	s2 =	simm.s32 $0x1;
	s6 =	sadd.s32 $0x11000, s6;
	v12 =	vor.u32 $0x200, v3;
	v15 =	vld.idx.msk [tilespmem:v14+s13+$0x0], $0xffff  }
0x49: {  	s7 =	simm.s32 $0x50;
	s2 =	simm.s32 @!p1 $0x0;
	s17 =	sor.u32 s8, s6;
	v16 =	vor.u32 $0x280, v2;
	[tilespmem:s0+$0x180] =	vst v6;
	v6 =	vld.idx.msk [tilespmem:v13+s13+$0x0], $0xffff  }
0x4a: {  	s28 =	sshll.u32 s2, $0x6;
	s11 =	sadd.s32 $0x10, s3;
	s9 =	sor.u32 $0x280, s4;
	v17 =	vor.u32 $0x80, v14;
	[tilespmem:s17+$0x0] =	vst v5;
	v18 =	vld.idx.msk [tilespmem:v19+s13+$0x0], $0xffff  }
0x4b: {  	s1 =	sadd.s32 $0x0, s28;
	s3 =	sor.u32 $0x200, s11;
	s0 =	simm.s32 $0x40;
	[tilespmem:s9+$0x11000] =	vst v11;
	v11 =	vor.u32 $0x80, v13;
	v10 =	vld.idx.msk [tilespmem:v10+s13+$0x0], $0xffff  }
0x4c: {  	s7 =	sand.u32 $0x50, s7;
	s10 =	sor.u32 $0x200, s1;
	s8 =	sand.u32 $0x40, s0;
	[tilespmem:s3+$0x11000] =	vst v8;
	v5 =	vld.idx.msk [tilespmem:v9+s13+$0x0], $0xffff;
	v9 =	vor.u32 $0x80, v19  }
0x4d: {  	s18 =	sand.u32 $0x3, s25;
	s16 =	simm.s32 $0x60;
	v8 =	vor.u32 $0x100, v0;
	[tilespmem:s10+$0x11000] =	vst v7;
	s21 =	sor.u32 s8, s6;
	v7 =	vld.idx.msk [tilespmem:v12+s13+$0x0], $0xffff  }
0x4e: {  	s19 =	sand.u32 $0x60, s16;
	s2 =	sor.u32 s7, s6;
	s3 =	sshll.u32 s18, $0x5;
	[tilespmem:s21+$0x0] =	vst v15;
	v12 =	vld.idx.msk [tilespmem:v16+s13+$0x0], $0xffff;
	v15 =	vor.u32 $0x280, v1  }
0x4f: {  	s7 =	sor.u32 s19, s6;
	v4 =	vor.u32 $0x380, v4;
	s3 =	sadd.s32 $0x0, s3;
	v16 =	vld.idx.msk [tilespmem:v17+s13+$0x0], $0xffff;
	[tilespmem:s2+$0x0] =	vst v6  }
0x50: {  	v20 =	vor.u32 $0x300, v2;
	s22 =	sadd.s32 $0x20, s3;
	v11 =	vld.idx.msk [tilespmem:v11+s13+$0x0], $0xffff;
	[tilespmem:s7+$0x0] =	vst v18  }
0x51: {  	s3 =	sor.u32 $0x200, s22;
	v6 =	vor.u32 $0x280, v3;
	[tilespmem:s17+$0x80] =	vst v10;
	v9 =	vld.idx.msk [tilespmem:v9+s13+$0x0], $0xffff  }
0x52: {  	s20 =	sor.u32 $0x300, s4;
	v17 =	vor.u32 $0x100, v14;
	[tilespmem:s3+$0x11000] =	vst v7;
	v8 =	vld.idx.msk [tilespmem:v8+s13+$0x0], $0xffff  }
0x53: {  	s12 =	simm.s32 $0x2;
	s23 =	sor.u32 $0x280, s1;
	[tilespmem:s20+$0x11000] =	vst v5;
	v5 =	vor.u32 $0x100, v13;
	v22 =	vld.idx.msk [tilespmem:v15+s13+$0x0], $0xffff  }
0x54: {  	p1 =	por !p1, !p1;
	s24 =	sand.u32 $0x3, s12;
	s4 =	sor.u32 $0x380, s4;
	v10 =	vor.u32 $0x100, v19;
	[tilespmem:s23+$0x11000] =	vst v12;
	v4 =	vld.idx.msk [tilespmem:v4+s13+$0x0], $0xffff  }
0x55: {  	s16 =	sor.u32 $0x300, s11;
	s9 =	sor.u32 $0x280, s11;
	s6 =	simm.s32 $0x1;
	[tilespmem:s21+$0x80] =	vst v16;
	v16 =	vor.u32 $0x180, v0;
	v20 =	vld.idx.msk [tilespmem:v20+s13+$0x0], $0xffff  }
0x56: {  	v26 =	vor.u32 $0x300, v1;
	v27 =	vor.u32 $0x300, v3;
	v2 =	vor.u32 $0x380, v2;
	s8 =	sshll.u32 s24, $0x5;
	s10 =	sor.u32 $0x380, s11;
	s6 =	simm.s32 @!p1 $0x0;
	v25 =	vld.idx.msk [tilespmem:v6+s13+$0x0], $0xffff;
	[tilespmem:s2+$0x80] =	vst v11  }
0x57: {  	v1 =	vor.u32 $0x380, v1;
	s8 =	sadd.s32 $0x200, s8;
	s19 =	sor.u32 $0x300, s22;
	s6 =	sshll.u32 s6, $0x6;
	v3 =	vor.u32 $0x380, v3;
	v18 =	vor.u32 $0x180, v13;
	v28 =	vld.idx.msk [tilespmem:v17+s13+$0x0], $0xffff;
	[tilespmem:s7+$0x80] =	vst v9  }
0x58: {  	s15 =	sor.u32 $0x280, s22;
	s30 =	sor.u32 $0x380, s22;
	s28 =	sadd.s32 $0x200, s6;
	v7 =	vor.u32 $0x280, v14;
	v15 =	vor.u32 $0x180, v14;
	v12 =	vor.u32 $0x200, v14;
	v21 =	vld.idx.msk [tilespmem:v5+s13+$0x0], $0xffff;
	[tilespmem:s17+$0x100] =	vst v8  }
0x59: {  	s6 =	sor.u32 $0x200, s28;
	s31 =	sor.u32 $0x380, s28;
	s20 =	sadd.s32 $0x20, s8;
	v17 =	vor.u32 $0x180, v19;
	v6 =	vor.u32 $0x300, v13;
	v11 =	vor.u32 $0x200, v13;
	[tilespmem:s9+$0x11000] =	vst v22;
	v23 =	vld.idx.msk [tilespmem:v10+s13+$0x0], $0xffff  }
0x5a: {  	s3 =	sor.u32 $0x300, s1;
	s1 =	sor.u32 $0x380, s1;
	s8 =	sor.u32 $0x200, s20;
	v9 =	vor.u32 $0x280, v13;
	v8 =	vor.u32 $0x280, v19;
	v5 =	vor.u32 $0x300, v19;
	[tilespmem:s4+$0x11000] =	vst v4;
	v24 =	vld.idx.msk [tilespmem:v16+s13+$0x0], $0xffff  }
0x5b: {  	s11 =	sor.u32 $0x280, s20;
	s18 =	sor.u32 $0x300, s20;
	s29 =	sor.u32 $0x380, s20;
	v10 =	vor.u32 $0x200, v19;
	v4 =	vor.u32 $0x300, v14;
	v16 =	vor.u32 $0x380, v14;
	v22 =	vld.idx.msk [tilespmem:v26+s13+$0x0], $0xffff;
	[tilespmem:s15+$0x11000] =	vst v25  }
0x5c: {  	s9 =	sor.u32 $0x300, s28;
	s4 =	sor.u32 $0x280, s28;
	v14 =	vor.u32 $0x380, v13;
	v13 =	vor.u32 $0x380, v19;
	[tilespmem:s21+$0x100] =	vst v28;
	v25 =	vor.u32 $0x200, v0;
	s15 =	simm.s32 $0xA0;
	v19 =	vld.idx.msk [tilespmem:v27+s13+$0x0], $0xffff  }
.LBB2_3:
0x5d: {  	v26 =	vld [tilespmem:s15+$0x10];
	[tilespmem:s2+$0x100] =	vst v21  }
0x5e: {  	v21 =	vld [tilespmem:s15+$0xFFFFFFE0];
	[tilespmem:s7+$0x100] =	vst v23  }
0x5f: {  	v23 =	vld [tilespmem:s15+$0xFFFFFFF0];
	[tilespmem:s3+$0x11000] =	vst v20  }
0x60: {  	v20 =	vld [tilespmem:s15+$0x0];
	[tilespmem:s17+$0x180] =	vst v24  }
0x61: {  	v24 =	vld.idx.msk [tilespmem:v25+s13+$0x0], $0xffff  }
0x62: {  	s25 =	sadd.s32 $0x4, s25;
	[tilespmem:s16+$0x11000] =	vst v22;
	v22 =	vshll.u32 v26, $0x3;
	v15 =	vld.idx.msk [tilespmem:v15+s13+$0x0], $0xffff  }
0x63: {  	s17 =	sand.u32 $0x7, s25;
	[tilespmem:s19+$0x11000] =	vst v19;
	v18 =	vld.idx.msk [tilespmem:v18+s13+$0x0], $0xffff;
	v25 =	vor.u32 $0x280, v0;
	v19 =	vand.u32 $0xFFFFFC00, v22;
	v22 =	vand.u32 $0x7F, v26  }
0x64: {  	s5 =	smov.u32 s0;
	s3 =	smov.u32 s9;
	s9 =	sshll.u32 s17, $0x4;
	v17 =	vld.idx.msk [tilespmem:v17+s13+$0x0], $0xffff;
	v19 =	vor.u32 v22, v19;
	v26 =	vshll.u32 v21, $0x3;
	v27 =	vshll.u32 v23, $0x3  }
0x65: {  	s20 =	smov.u32 s18;
	p1 =	por !p1, !p1;
	v28 =	vld.idx.msk [tilespmem:v2+s13+$0x0], $0xffff;
	s9 =	sadd.s32 s9, s26;
	v22 =	vand.u32 $0xFFFFFC00, v26;
	v26 =	vand.u32 $0xFFFFFC00, v27;
	v27 =	vshll.u32 v20, $0x3  }
0x66: {  	s12 =	sadd.s32 $0x2, s12;
	[dreg:$0x4] =	wrdreg s20;
	v2 =	vmovc v16;
	s20 =	sadd.s32 $0x30, s9;
	v16 =	vand.u32 $0x7F, v21;
	v21 =	vand.u32 $0x7F, v23;
	v23 =	vand.u32 $0xFFFFFC00, v27;
	v27 =	vld.idx.msk [tilespmem:v1+s13+$0x0], $0xffff  }
0x67: {  	s18 =	sadd.s32 $0x50, s5;
	s19 =	sand.u32 $0x3, s12;
	s28 =	sor.u32 $0x200, s20;
	[tilespmem:s21+$0x180] =	vst v15;
	v1 =	vmov v14;
	v14 =	vor.u32 v16, v22;
	v16 =	vand.u32 $0x7F, v20;
	v20 =	vld.idx.msk [tilespmem:v3+s13+$0x0], $0xffff  }
0x68: {  	s17 =	simm.s32 $0x1;
	s19 =	sshll.u32 s19, $0x5;
	s22 =	sadd.s32 $0x10, s9;
	[tilespmem:s28+$0x11000] =	vst v24;
	v21 =	vor.u32 v21, v26;
	v32 =	vld.idx.msk [tilespmem:v12+s13+$0x0], $0xffff  }
0x69: {  	s17 =	simm.s32 @!p1 $0x0;
	s26 =	sadd.s32 $0x200, s26;
	s23 =	sor.u32 $0x280, s22;
	[tilespmem:s2+$0x180] =	vst v18;
	v23 =	vor.u32 v16, v23;
	v16 =	vld.idx.msk [tilespmem:v25+s13+$0x0], $0xffff  }
0x6a: {  	v33 =	vor.u32 $0x300, v0;
	s24 =	sor.u32 $0x200, s22;
	s16 =	sor.u32 $0x300, s22;
	v34 =	vor.u32 $0x80, v19;
	[dreg:$0x5] =	wrdreg s23;
	[tilespmem:s7+$0x180] =	vst v17;
	v30 =	vld.idx.msk [tilespmem:v19+s13+$0x0], $0xffff  }
0x6b: {  	s23 =	sor.u32 $0x380, s22;
	s28 =	sadd.s32 $0x60, s5;
	s21 =	sand.u32 $0x3C00, s26;
	[tilespmem:s1+$0x11000] =	vst v28;
	v22 =	vor.u32 $0x80, v14;
	v24 =	vor.u32 $0x80, v21;
	v25 =	vor.u32 $0x100, v14;
	v35 =	vld.idx.msk [tilespmem:v11+s13+$0x0], $0xffff  }
0x6c: {  	s5 =	sadd.s32 $0x70, s5;
	s22 =	sand.u32 $0x60, s28;
	s1 =	sadd.s32 s26, s19;
	v26 =	vor.u32 $0x100, v21;
	v15 =	vor.u32 $0x180, v14;
	v18 =	vor.u32 $0x180, v21;
	v28 =	vld.idx.msk [tilespmem:v14+s13+$0x0], $0xffff;
	[tilespmem:s10+$0x11000] =	vst v27  }
0x6d: {  	s28 =	sadd.s32 $0x11000, s21;
	s5 =	sand.u32 $0x70, s5;
	s19 =	sor.u32 $0x280, s20;
	v12 =	vor.u32 $0x200, v14;
	v11 =	vor.u32 $0x200, v21;
	v38 =	vor.u32 $0x280, v21;
	[tilespmem:s30+$0x11000] =	vst v20;
	v37 =	vld.idx.msk [tilespmem:v21+s13+$0x0], $0xffff  }
0x6e: {  	s0 =	sadd.s32 $0x40, s0;
	s7 =	sshll.u32 s17, $0x6;
	v40 =	vor.u32 $0x300, v14;
	v41 =	vor.u32 $0x300, v21;
	s17 =	sor.u32 s5, s28;
	v29 =	vor.u32 $0x80, v23;
	v20 =	vld.idx.msk [tilespmem:v23+s13+$0x0], $0xffff;
	[tilespmem:s19+$0x11000] =	vst v16  }
0x6f: {  	s2 =	sand.u32 $0x40, s0;
	v31 =	vor.u32 $0x100, v23;
	v17 =	vor.u32 $0x180, v23;
	v36 =	vor.u32 $0x200, v23;
	v60 =	vld.idx.msk [tilespmem:v10+s13+$0x0], $0xffff;
	[tilespmem:s17+$0x0] =	vst v30  }
0x70: {  	s21 =	sor.u32 s2, s28;
	v27 =	vor.u32 $0x280, v14;
	[tilespmem:s6+$0x11000] =	vst v32;
	v16 =	vor.u32 $0x380, v14;
	v14 =	vor.u32 $0x380, v21;
	v21 =	vld.idx.msk [tilespmem:v33+s13+$0x0], $0xffff  }
0x71: {  	s9 =	sand.u32 $0x50, s18;
	v3 =	vmovc v13;
	s1 =	sadd.s32 $0x20, s1;
	v39 =	vor.u32 $0x280, v23;
	v42 =	vor.u32 $0x300, v23;
	v13 =	vor.u32 $0x380, v23;
	v23 =	vld.idx.msk [tilespmem:v34+s13+$0x0], $0xffff;
	[tilespmem:s21+$0x0] =	vst v28  }
0x72: {  	s2 =	sor.u32 s9, s28;
	s5 =	sor.u32 $0x280, s1;
	[tilespmem:s24+$0x11000] =	vst v35;
	v28 =	vld.idx.msk [tilespmem:v7+s13+$0x0], $0xffff  }
0x73: {  	v61 =	vor.u32 $0x380, v0;
	v0 =	vmov v19;
	s18 =	sor.u32 $0x300, s1;
	s30 =	sadd.s32 s7, s26;
	s7 =	sor.u32 s22, s28;
	v22 =	vld.idx.msk [tilespmem:v22+s13+$0x0], $0xffff;
	[tilespmem:s2+$0x0] =	vst v37  }
0x74: {  	v19 =	vor.u32 $0x100, v0;
	s22 =	sor.u32 $0x200, s1;
	s24 =	sor.u32 $0x380, s30;
	s19 =	sor.u32 $0x380, s1;
	[tilespmem:s7+$0x0] =	vst v20;
	v24 =	vld.idx.msk [tilespmem:v24+s13+$0x0], $0xffff  }
0x75: {  	s1 =	smov.u32 s31;
	s31 =	smov.u32 s24;
	s24 =	sor.u32 $0x300, s20;
	v20 =	vld.idx.msk [tilespmem:v29+s13+$0x0], $0xffff;
	[tilespmem:s8+$0x11000] =	vst v60  }
0x76: {  	v62 =	vld.idx.msk [tilespmem:v9+s13+$0x0], $0xffff;
	[tilespmem:s24+$0x11000] =	vst v21  }
0x77: {  	v63 =	vld.idx.msk [tilespmem:v8+s13+$0x0], $0xffff;
	[tilespmem:s17+$0x80] =	vst v23  }
0x78: {  	v7 =	vmov v27;
	v27 =	vld.idx.msk [tilespmem:v61+s13+$0x0], $0xffff;
	[tilespmem:s4+$0x11000] =	vst v28  }
0x79: {  	v19 =	vld.idx.msk [tilespmem:v19+s13+$0x0], $0xffff;
	[tilespmem:s21+$0x80] =	vst v22  }
0x7a: {  	v22 =	vor.u32 $0x180, v0;
	[tilespmem:s2+$0x80] =	vst v24;
	v25 =	vld.idx.msk [tilespmem:v25+s13+$0x0], $0xffff  }
0x7b: {  	p2 =	slt.u32 s0, $0x7C0;
	[tilespmem:s7+$0x80] =	vst v20;
	v21 =	vld.idx.msk [tilespmem:v26+s13+$0x0], $0xffff  }
.Ltmp0:
0x7c: {  	s24 =	sor.u32 $0x380, s20;
	v23 =	vld.idx.msk [tilespmem:v31+s13+$0x0], $0xffff;
	[tilespmem:s11+$0x11000] =	vst v63;
	(pc) =	sbr.rel @p2 .LBB2_3-.Ltmp0, $4  }
0x7d: {  	s15 =	sadd.s32 $0x40, s15;
	s10 =	smov.u32 s23;
	s28 =	sor.u32 $0x280, s30;
	v20 =	vld.idx.msk [tilespmem:v4+s13+$0x0], $0xffff;
	[tilespmem:s24+$0x11000] =	vst v27  }
0x7e: {  	s6 =	sor.u32 $0x200, s30;
	s4 =	smov.u32 s28;
	s28 =	rddreg [dreg:$0x5];
	[tilespmem:s17+$0x100] =	vst v19;
	v19 =	vld.idx.msk [tilespmem:v5+s13+$0x0], $0xffff  }
0x7f: {  	s9 =	sor.u32 $0x300, s30;
	v10 =	vmov v36;
	s30 =	smov.u32 s29;
	s29 =	smov.u32 s19;
	v9 =	vmov v38;
	[tilespmem:s28+$0x11000] =	vst v62;
	v24 =	vld.idx.msk [tilespmem:v22+s13+$0x0], $0xffff  }
0x80: {  	s19 =	rddreg [dreg:$0x4];
	s8 =	smov.u32 s22;
	v8 =	vmovc v39;
	v4 =	vmovc v40;
	s11 =	smov.u32 s5;
	v5 =	vmov v42;
	v22 =	vld.idx.msk [tilespmem:v6+s13+$0x0], $0xffff;
	v6 =	vmov v41;
	[tilespmem:s21+$0x100] =	vst v25;
	v25 =	vor.u32 $0x200, v0  }
0x81: {  	_ =	sdelay $0x3  }
0x82: {  	v15 =	vld.idx.msk [tilespmem:v15+s13+$0x0], $0xffff;
	_ =	sdelay $0x1  }
0x83: {  	[tilespmem:s2+$0x100] =	vst v21  }
0x84: {  	[tilespmem:s7+$0x100] =	vst v23;
	v18 =	vld.idx.msk [tilespmem:v18+s13+$0x0], $0xffff  }
0x85: {  	s0 =	sadd.s32 $0x4, s25;
	v17 =	vld.idx.msk [tilespmem:v17+s13+$0x0], $0xffff;
	[tilespmem:s17+$0x180] =	vst v24  }
0x86: {  	s0 =	sand.u32 $0x7, s0;
	[tilespmem:s21+$0x180] =	vst v15;
	v15 =	vld.idx.msk [tilespmem:v25+s13+$0x0], $0xffff  }
0x87: {  	v21 =	vor.u32 $0x280, v0;
	s0 =	sshll.u32 s0, $0x4;
	v12 =	vld.idx.msk [tilespmem:v12+s13+$0x0], $0xffff  }
0x88: {  	s0 =	sadd.s32 s0, s26  }
0x89: {  	s26 =	sadd.s32 $0x30, s0;
	[tilespmem:s2+$0x180] =	vst v18  }
0x8a: {  	s5 =	sor.u32 $0x200, s26;
	[tilespmem:s7+$0x180] =	vst v17;
	v11 =	vld.idx.msk [tilespmem:v11+s13+$0x0], $0xffff  }
0x8b: {  	v10 =	vld.idx.msk [tilespmem:v10+s13+$0x0], $0xffff;
	[tilespmem:s5+$0x11000] =	vst v15  }
0x8c: {  	v15 =	vld.idx.msk [tilespmem:v21+s13+$0x0], $0xffff;
	[tilespmem:s6+$0x11000] =	vst v12  }
0x8d: {  	[tilespmem:s3+$0x11000] =	vst v20;
	s0 =	sadd.s32 $0x10, s0;
	v12 =	vor.u32 $0x300, v0;
	v7 =	vld.idx.msk [tilespmem:v7+s13+$0x0], $0xffff  }
0x8e: {  	[tilespmem:s19+$0x11000] =	vst v19;
	s7 =	sor.u32 $0x200, s0  }
0x8f: {  	v2 =	vld.idx.msk [tilespmem:v2+s13+$0x0], $0xffff;
	[tilespmem:s7+$0x11000] =	vst v11  }
0x90: {  	[tilespmem:s8+$0x11000] =	vst v10;
	s8 =	sor.u32 $0x280, s26;
	v9 =	vld.idx.msk [tilespmem:v9+s13+$0x0], $0xffff  }
0x91: {  	v8 =	vld.idx.msk [tilespmem:v8+s13+$0x0], $0xffff;
	[tilespmem:s8+$0x11000] =	vst v15  }
0x92: {  	v10 =	vld.idx.msk [tilespmem:v12+s13+$0x0], $0xffff;
	[tilespmem:s4+$0x11000] =	vst v7  }
0x93: {  	[tilespmem:s16+$0x11000] =	vst v22;
	v0 =	vor.u32 $0x380, v0;
	v4 =	vld.idx.msk [tilespmem:v4+s13+$0x0], $0xffff  }
0x94: {  	s12 =	sor.u32 $0x280, s0;
	v1 =	vld.idx.msk [tilespmem:v1+s13+$0x0], $0xffff;
	[tilespmem:s1+$0x11000] =	vst v2  }
0x95: {  	v2 =	vld.idx.msk [tilespmem:v3+s13+$0x0], $0xffff;
	[tilespmem:s12+$0x11000] =	vst v9  }
0x96: {  	s15 =	sor.u32 $0x300, s26;
	[tilespmem:s11+$0x11000] =	vst v8;
	v6 =	vld.idx.msk [tilespmem:v6+s13+$0x0], $0xffff  }
0x97: {  	v5 =	vld.idx.msk [tilespmem:v5+s13+$0x0], $0xffff;
	[tilespmem:s15+$0x11000] =	vst v10  }
0x98: {  	v0 =	vld.idx.msk [tilespmem:v0+s13+$0x0], $0xffff;
	[tilespmem:s9+$0x11000] =	vst v4  }
0x99: {  	[tilespmem:s10+$0x11000] =	vst v1;
	v3 =	vld.idx.msk [tilespmem:v16+s13+$0x0], $0xffff  }
0x9a: {  	s16 =	sor.u32 $0x300, s0;
	[tilespmem:s30+$0x11000] =	vst v2  }
0x9b: {  	[tilespmem:s16+$0x11000] =	vst v6  }
0x9c: {  	s17 =	sor.u32 $0x380, s26;
	[tilespmem:s18+$0x11000] =	vst v5  }
0x9d: {  	v4 =	vld.idx.msk [tilespmem:v14+s13+$0x0], $0xffff;
	[tilespmem:s17+$0x11000] =	vst v0  }
0x9e: {  	v1 =	vld.idx.msk [tilespmem:v13+s13+$0x0], $0xffff;
	[tilespmem:s31+$0x11000] =	vst v3  }
0x9f: {  	s1 =	rddreg [dreg:$0x7]  }
0xa0: {  	s22 =	rddreg [dreg:$0x10]  }
0xa1: {  	s0 =	sor.u32 $0x380, s0;
	s1 =	sor.u32 s1, s22  }
0xa2: {  	s18 =	rddreg [dreg:$0x2];
	[tilespmem:s0+$0x11000] =	vst v4;
	s25 =	sshrl.u32 s1, $0x3  }
0xa3: {  	s19 =	simm.s32 $0x11000;
	s21 =	simm.s32 $0x0;
	[tilespmem:s29+$0x11000] =	vst v1;
	s0 =	sadd.s32 s18, s25  }
0xa4: {  	[hbm4b:s0+s21] =	stream.linear.scatter [tilespmem:s19], [sflag:$0x3], $0x4000, $0x38;
	[tilespmem:$0x19000] =	vst v63  }
0xa5: {  	s0 =	simm.s32 @!p0 $0x4  }
0xa6: {  	_ =	swait.ge @!p0 [sflag:s0], $0x4000  }
0xa7: {  	[sflag:s0] =	ssyncset.done @!p0 $0x0  }
0xa8: {  	s20 =	simm.s32 $0x830;
	[sflag:s0] =	ssyncadd.s32 @!p0 $0xFFFFC000  }
0xa9: {  	v0 =	vld [tilespmem:s20+$0x0];
	_ =	sdelay $0x3  }
0xaa: {  	v1 =	vld [tilespmem:s20+$0xFFFFFFD0]  }
0xab: {  	v2 =	vld [tilespmem:s20+$0xFFFFFFE0];
	v3 =	vshll.u32 v0, $0x3  }
0xac: {  	v0 =	vand.u32 $0x7F, v0;
	v3 =	vand.u32 $0xFFFFFC00, v3  }
0xad: {  	v3 =	vor.u32 v0, v3;
	v0 =	vld [tilespmem:s20+$0xFFFFFFF0];
	_ =	sdelay $0x1  }
0xae: {  	v4 =	vshll.u32 v1, $0x3  }
0xaf: {  	v5 =	vshll.u32 v2, $0x3;
	v1 =	vand.u32 $0x7F, v1;
	v4 =	vand.u32 $0xFFFFFC00, v4  }
0xb0: {  	v6 =	vand.u32 $0x7F, v2;
	v5 =	vand.u32 $0xFFFFFC00, v5;
	v2 =	vor.u32 v1, v4  }
0xb1: {  	v1 =	vor.u32 v6, v5;
	v5 =	vld.idx.msk [tilespmem:v3+s13+$0x0], $0xffff;
	v4 =	vshll.u32 v0, $0x3  }
0xb2: {  	s23 =	simm.s32 $0x4000;
	v6 =	vor.u32 $0x80, v3;
	v0 =	vand.u32 $0x7F, v0;
	v4 =	vand.u32 $0xFFFFFC00, v4  }
0xb3: {  	s24 =	simm.s32 $0x830;
	s6 =	sand.u32 $0x7C00, s23;
	v4 =	vor.u32 v0, v4  }
0xb4: {  	s26 =	sadd.s32 $0x11000, s6;
	s4 =	sand.u32 $0x70, s24  }
0xb5: {  	s0 =	sor.u32 s4, s26;
	v0 =	vld.idx.msk [tilespmem:v2+s13+$0x0], $0xffff  }
0xb6: {  	v7 =	vor.u32 $0x80, v2;
	v8 =	vld.idx.msk [tilespmem:v1+s13+$0x0], $0xffff;
	[tilespmem:s0+$0x0] =	vst v5  }
0xb7: {  	s5 =	simm.s32 $0x800;
	v5 =	vor.u32 $0x80, v1;
	v6 =	vld.idx.msk [tilespmem:v6+s13+$0x0], $0xffff  }
0xb8: {  	s2 =	sand.u32 $0x40, s5;
	s7 =	simm.s32 $0x810;
	v9 =	vor.u32 $0x100, v3;
	v10 =	vld.idx.msk [tilespmem:v4+s13+$0x0], $0xffff  }
0xb9: {  	s8 =	sor.u32 s2, s26;
	s1 =	sand.u32 $0x50, s7;
	v11 =	vor.u32 $0x80, v4  }
0xba: {  	s10 =	sadd.s32 $0x11080, s6;
	s11 =	simm.s32 $0x820;
	s9 =	sor.u32 s1, s26;
	[tilespmem:s8+$0x0] =	vst v0  }
0xbb: {  	s12 =	sor.u32 s4, s10;
	s7 =	sand.u32 $0x60, s11;
	[tilespmem:s9+$0x0] =	vst v8;
	v0 =	vld.idx.msk [tilespmem:v7+s13+$0x0], $0xffff  }
0xbc: {  	s3 =	sor.u32 s7, s26;
	v7 =	vor.u32 $0x100, v2;
	v5 =	vld.idx.msk [tilespmem:v5+s13+$0x0], $0xffff;
	[tilespmem:s12+$0x0] =	vst v6  }
0xbd: {  	v6 =	vor.u32 $0x100, v1;
	v8 =	vld.idx.msk [tilespmem:v9+s13+$0x0], $0xffff;
	[tilespmem:s3+$0x0] =	vst v10  }
0xbe: {  	v10 =	vld.idx.msk [tilespmem:v11+s13+$0x0], $0xffff  }
0xbf: {  	s15 =	sor.u32 s2, s10;
	s19 =	simm.s32 $0x870;
	v9 =	vor.u32 $0x180, v3  }
0xc0: {  	s17 =	sadd.s32 $0x11100, s6;
	s16 =	sor.u32 s1, s10;
	v13 =	vld [tilespmem:s19+$0xFFFFFFE0];
	[tilespmem:s15+$0x0] =	vst v0  }
0xc1: {  	s18 =	sor.u32 s4, s17;
	v11 =	vor.u32 $0x100, v4;
	v0 =	vld.idx.msk [tilespmem:v7+s13+$0x0], $0xffff;
	[tilespmem:s16+$0x0] =	vst v5  }
0xc2: {  	s0 =	sor.u32 s7, s10;
	v5 =	vld.idx.msk [tilespmem:v6+s13+$0x0], $0xffff;
	[tilespmem:s18+$0x0] =	vst v8  }
0xc3: {  	v8 =	vld [tilespmem:s19+$0x0];
	[tilespmem:s0+$0x0] =	vst v10;
	v10 =	vor.u32 $0x180, v2  }
0xc4: {  	v12 =	vor.u32 $0x180, v1;
	v6 =	vld.idx.msk [tilespmem:v9+s13+$0x0], $0xffff  }
0xc5: {  	v14 =	vld [tilespmem:s19+$0xFFFFFFF0];
	v7 =	vor.u32 $0x200, v3  }
0xc6: {  	s24 =	sor.u32 s2, s17;
	v9 =	vld.idx.msk [tilespmem:v11+s13+$0x0], $0xffff  }
0xc7: {  	s26 =	sor.u32 s1, s17;
	s20 =	sadd.s32 $0x11180, s6;
	v11 =	vld [tilespmem:s19+$0xFFFFFFD0];
	[tilespmem:s24+$0x0] =	vst v0  }
0xc8: {  	s23 =	sor.u32 s4, s20;
	[tilespmem:s26+$0x0] =	vst v5;
	v15 =	vshll.u32 v8, $0x3;
	v5 =	vld.idx.msk [tilespmem:v10+s13+$0x0], $0xffff  }
0xc9: {  	v8 =	vand.u32 $0x7F, v8;
	[tilespmem:s23+$0x0] =	vst v6;
	v6 =	vor.u32 $0x180, v4;
	v0 =	vand.u32 $0xFFFFFC00, v15;
	v10 =	vld.idx.msk [tilespmem:v12+s13+$0x0], $0xffff  }
0xca: {  	v7 =	vld.idx.msk [tilespmem:v7+s13+$0x0], $0xffff;
	v0 =	vor.u32 v8, v0  }
0xcb: {  	v17 =	vshll.u32 v13, $0x3;
	s3 =	sor.u32 s7, s17;
	v8 =	vor.u32 $0x200, v1  }
0xcc: {  	v13 =	vand.u32 $0x7F, v13;
	s9 =	sor.u32 s2, s20;
	v15 =	vor.u32 $0x280, v3;
	v12 =	vshll.u32 v11, $0x3;
	[tilespmem:s3+$0x0] =	vst v9  }
0xcd: {  	v16 =	vor.u32 $0x200, v2;
	s10 =	sor.u32 s1, s20;
	s8 =	sadd.s32 $0x11200, s6;
	v11 =	vand.u32 $0x7F, v11;
	v9 =	vand.u32 $0xFFFFFC00, v12;
	[tilespmem:s9+$0x0] =	vst v5  }
0xce: {  	s5 =	sor.u32 s4, s8;
	v12 =	vand.u32 $0xFFFFFC00, v17;
	v17 =	vshll.u32 v14, $0x3;
	v21 =	vor.u32 v11, v9;
	v6 =	vld.idx.msk [tilespmem:v6+s13+$0x0], $0xffff;
	[tilespmem:s10+$0x0] =	vst v10  }
0xcf: {  	v13 =	vor.u32 v13, v12;
	v9 =	vand.u32 $0x7F, v14;
	[tilespmem:s5+$0x0] =	vst v7;
	v7 =	vand.u32 $0xFFFFFC00, v17;
	v5 =	vld.idx.msk [tilespmem:v0+s13+$0x0], $0xffff  }
0xd0: {  	v8 =	vld.idx.msk [tilespmem:v8+s13+$0x0], $0xffff;
	v25 =	vor.u32 v9, v7  }
0xd1: {  	s0 =	simm.s32 $0x4200;
	v10 =	vor.u32 $0x80, v0;
	v11 =	vld.idx.msk [tilespmem:v15+s13+$0x0], $0xffff  }
0xd2: {  	s12 =	simm.s32 $0x870;
	s26 =	sand.u32 $0x7C00, s0;
	v7 =	vld.idx.msk [tilespmem:v16+s13+$0x0], $0xffff;
	v9 =	vor.u32 $0x300, v3  }
0xd3: {  	s11 =	sor.u32 s7, s20;
	s29 =	sand.u32 $0x70, s12;
	s15 =	sadd.s32 $0x11000, s26;
	v12 =	vor.u32 $0x200, v4;
	v14 =	vld.idx.msk [tilespmem:v21+s13+$0x0], $0xffff  }
0xd4: {  	s9 =	sor.u32 s29, s15;
	s5 =	sadd.s32 $0x11280, s6;
	v15 =	vor.u32 $0x280, v2;
	[tilespmem:s11+$0x0] =	vst v6;
	v6 =	vld.idx.msk [tilespmem:v13+s13+$0x0], $0xffff  }
0xd5: {  	s16 =	sor.u32 s4, s5;
	v16 =	vor.u32 $0x80, v21;
	[tilespmem:s9+$0x0] =	vst v5;
	v17 =	vld.idx.msk [tilespmem:v25+s13+$0x0], $0xffff  }
0xd6: {  	s18 =	sor.u32 s1, s8;
	s3 =	simm.s32 $0x840;
	[tilespmem:s16+$0x0] =	vst v11;
	v11 =	vor.u32 $0x80, v13;
	v10 =	vld.idx.msk [tilespmem:v10+s13+$0x0], $0xffff  }
0xd7: {  	s17 =	sor.u32 s2, s8;
	s12 =	simm.s32 $0x850;
	s31 =	sand.u32 $0x40, s3;
	[tilespmem:s18+$0x0] =	vst v8;
	v5 =	vld.idx.msk [tilespmem:v9+s13+$0x0], $0xffff;
	v9 =	vor.u32 $0x80, v25  }
0xd8: {  	s28 =	sand.u32 $0x50, s12;
	s19 =	simm.s32 $0x860;
	s20 =	sor.u32 s31, s15;
	v8 =	vor.u32 $0x100, v0;
	[tilespmem:s17+$0x0] =	vst v7;
	v7 =	vld.idx.msk [tilespmem:v12+s13+$0x0], $0xffff  }
0xd9: {  	s30 =	sand.u32 $0x60, s19;
	s23 =	sor.u32 s28, s15;
	[tilespmem:s20+$0x0] =	vst v14;
	v12 =	vld.idx.msk [tilespmem:v15+s13+$0x0], $0xffff;
	v14 =	vor.u32 $0x280, v1  }
0xda: {  	s24 =	sadd.s32 $0x11080, s26;
	s10 =	sor.u32 s30, s15;
	v3 =	vor.u32 $0x380, v3;
	v15 =	vld.idx.msk [tilespmem:v16+s13+$0x0], $0xffff;
	[tilespmem:s23+$0x0] =	vst v6  }
0xdb: {  	s15 =	sor.u32 s29, s24;
	s11 =	sadd.s32 $0x11300, s6;
	v6 =	vor.u32 $0x280, v4;
	v11 =	vld.idx.msk [tilespmem:v11+s13+$0x0], $0xffff;
	[tilespmem:s10+$0x0] =	vst v17  }
0xdc: {  	s12 =	sor.u32 s4, s11;
	v16 =	vor.u32 $0x100, v21;
	[tilespmem:s15+$0x0] =	vst v10;
	v9 =	vld.idx.msk [tilespmem:v9+s13+$0x0], $0xffff  }
0xdd: {  	s8 =	sor.u32 s7, s8;
	[tilespmem:s12+$0x0] =	vst v5;
	v5 =	vor.u32 $0x100, v13;
	v8 =	vld.idx.msk [tilespmem:v8+s13+$0x0], $0xffff  }
0xde: {  	v19 =	vor.u32 $0x100, v25;
	s16 =	sor.u32 s2, s5;
	[tilespmem:s8+$0x0] =	vst v7;
	v14 =	vld.idx.msk [tilespmem:v14+s13+$0x0], $0xffff  }
0xdf: {  	v22 =	vor.u32 $0x300, v2;
	s17 =	sor.u32 s31, s24;
	[tilespmem:s16+$0x0] =	vst v12;
	v10 =	vld.idx.msk [tilespmem:v3+s13+$0x0], $0xffff  }
0xe0: {  	s18 =	sor.u32 s28, s24;
	[tilespmem:s17+$0x0] =	vst v15;
	v15 =	vor.u32 $0x180, v0;
	v26 =	vld.idx.msk [tilespmem:v6+s13+$0x0], $0xffff  }
0xe1: {  	v27 =	vor.u32 $0x300, v1;
	v28 =	vor.u32 $0x300, v4;
	v18 =	vor.u32 $0x180, v13;
	s9 =	sor.u32 s30, s24;
	s15 =	sadd.s32 $0x11100, s26;
	v29 =	vld.idx.msk [tilespmem:v16+s13+$0x0], $0xffff;
	[tilespmem:s18+$0x0] =	vst v11  }
0xe2: {  	v1 =	vor.u32 $0x380, v1;
	v17 =	vor.u32 $0x180, v25;
	v7 =	vor.u32 $0x280, v21;
	s20 =	sor.u32 s29, s15;
	v20 =	vld.idx.msk [tilespmem:v5+s13+$0x0], $0xffff;
	[tilespmem:s9+$0x0] =	vst v9  }
0xe3: {  	s19 =	sadd.s32 $0x11380, s6;
	s23 =	sor.u32 s1, s5;
	v12 =	vor.u32 $0x200, v21;
	v3 =	vor.u32 $0x380, v2;
	v2 =	vor.u32 $0x380, v4;
	[tilespmem:s20+$0x0] =	vst v8;
	v23 =	vld.idx.msk [tilespmem:v19+s13+$0x0], $0xffff  }
0xe4: {  	s6 =	sor.u32 s2, s19;
	s4 =	sor.u32 s4, s19;
	s5 =	sor.u32 s7, s5;
	v4 =	vor.u32 $0x300, v25;
	v16 =	vor.u32 $0x180, v21;
	v6 =	vor.u32 $0x300, v13;
	[tilespmem:s23+$0x0] =	vst v14;
	v19 =	vld.idx.msk [tilespmem:v22+s13+$0x0], $0xffff  }
0xe5: {  	s10 =	sor.u32 s1, s11;
	s8 =	sor.u32 s7, s11;
	s24 =	sor.u32 s31, s15;
	v11 =	vor.u32 $0x200, v13;
	v9 =	vor.u32 $0x280, v13;
	v8 =	vor.u32 $0x280, v25;
	[tilespmem:s4+$0x0] =	vst v10;
	v24 =	vld.idx.msk [tilespmem:v15+s13+$0x0], $0xffff  }
0xe6: {  	s18 =	sor.u32 s28, s15;
	s15 =	sor.u32 s30, s15;
	s9 =	sor.u32 s2, s11;
	v5 =	vor.u32 $0x300, v21;
	v14 =	vor.u32 $0x380, v13;
	v13 =	vor.u32 $0x380, v25;
	v22 =	vld.idx.msk [tilespmem:v27+s13+$0x0], $0xffff;
	[tilespmem:s5+$0x0] =	vst v26  }
0xe7: {  	s2 =	sor.u32 s7, s19;
	v10 =	vor.u32 $0x200, v25;
	v15 =	vor.u32 $0x380, v21;
	s4 =	sor.u32 s1, s19;
	v25 =	vor.u32 $0x200, v0;
	s1 =	simm.s32 $0x8B0;
	[tilespmem:s24+$0x0] =	vst v29;
	v21 =	vld.idx.msk [tilespmem:v28+s13+$0x0], $0xffff  }
.LBB2_5:
0xe8: {  	v26 =	vld [tilespmem:s1+$0x0];
	[tilespmem:s18+$0x0] =	vst v20;
	s5 =	smov.u32 s3  }
0xe9: {  	s7 =	sadd.s32 $0x11180, s26;
	v20 =	vld [tilespmem:s1+$0xFFFFFFD0];
	[tilespmem:s15+$0x0] =	vst v23  }
0xea: {  	s12 =	sor.u32 s31, s7;
	s16 =	sor.u32 s28, s7;
	s15 =	sor.u32 s29, s7;
	v23 =	vld [tilespmem:s1+$0xFFFFFFE0];
	[tilespmem:s9+$0x0] =	vst v19  }
0xeb: {  	s11 =	sor.u32 s30, s7;
	v19 =	vld [tilespmem:s1+$0xFFFFFFF0];
	[tilespmem:s15+$0x0] =	vst v24  }
0xec: {  	v24 =	vld.idx.msk [tilespmem:v25+s13+$0x0], $0xffff;
	[tilespmem:s10+$0x0] =	vst v22  }
0xed: {  	v22 =	vshll.u32 v26, $0x3;
	v16 =	vld.idx.msk [tilespmem:v16+s13+$0x0], $0xffff;
	[tilespmem:s8+$0x0] =	vst v21  }
0xee: {  	v25 =	vor.u32 $0x280, v0;
	v21 =	vand.u32 $0xFFFFFC00, v22;
	v22 =	vand.u32 $0x7F, v26;
	v18 =	vld.idx.msk [tilespmem:v18+s13+$0x0], $0xffff  }
0xef: {  	v26 =	vshll.u32 v20, $0x3;
	v27 =	vshll.u32 v23, $0x3;
	v21 =	vor.u32 v22, v21;
	v17 =	vld.idx.msk [tilespmem:v17+s13+$0x0], $0xffff  }
0xf0: {  	s7 =	sadd.s32 $0x11200, s26;
	v22 =	vand.u32 $0xFFFFFC00, v26;
	v26 =	vand.u32 $0xFFFFFC00, v27;
	v27 =	vshll.u32 v19, $0x3;
	v28 =	vld.idx.msk [tilespmem:v3+s13+$0x0], $0xffff;
	v3 =	vmovc v15  }
0xf1: {  	s9 =	sor.u32 s31, s7;
	s10 =	sor.u32 s29, s7;
	s8 =	sor.u32 s28, s7;
	v15 =	vand.u32 $0x7F, v20;
	v20 =	vand.u32 $0x7F, v23;
	v23 =	vand.u32 $0xFFFFFC00, v27;
	v27 =	vld.idx.msk [tilespmem:v1+s13+$0x0], $0xffff;
	v1 =	vmovc v14  }
0xf2: {  	s15 =	sor.u32 s30, s7;
	v14 =	vor.u32 v15, v22;
	v20 =	vor.u32 v20, v26;
	v15 =	vand.u32 $0x7F, v19;
	[tilespmem:s10+$0x0] =	vst v24;
	v19 =	vld.idx.msk [tilespmem:v2+s13+$0x0], $0xffff  }
0xf3: {  	v22 =	vor.u32 $0x80, v14;
	v24 =	vor.u32 $0x80, v20;
	v23 =	vor.u32 v15, v23;
	v2 =	vmovc v13;
	[tilespmem:s12+$0x0] =	vst v16;
	v15 =	vld.idx.msk [tilespmem:v25+s13+$0x0], $0xffff  }
0xf4: {  	s3 =	sadd.s32 $0x40, s3;
	v26 =	vor.u32 $0x100, v20;
	v25 =	vor.u32 $0x100, v14;
	v29 =	vor.u32 $0x80, v23;
	v30 =	vld.idx.msk [tilespmem:v21+s13+$0x0], $0xffff;
	[tilespmem:s16+$0x0] =	vst v18  }
0xf5: {  	v33 =	vor.u32 $0x300, v0;
	s7 =	sand.u32 $0x40, s3;
	s10 =	sadd.s32 $0x50, s5;
	v16 =	vor.u32 $0x180, v14;
	s12 =	sadd.s32 $0x60, s5;
	v31 =	vor.u32 $0x100, v23;
	v32 =	vld.idx.msk [tilespmem:v12+s13+$0x0], $0xffff;
	[tilespmem:s11+$0x0] =	vst v17  }
0xf6: {  	s0 =	sadd.s32 $0x200, s0;
	v34 =	vor.u32 $0x80, v21;
	v18 =	vor.u32 $0x180, v20;
	s12 =	sand.u32 $0x60, s12;
	s11 =	sand.u32 $0x50, s10;
	v17 =	vor.u32 $0x180, v23;
	v35 =	vld.idx.msk [tilespmem:v11+s13+$0x0], $0xffff;
	[tilespmem:s6+$0x0] =	vst v28  }
0xf7: {  	v36 =	vor.u32 $0x200, v23;
	s5 =	sadd.s32 $0x70, s5;
	v12 =	vor.u32 $0x200, v14;
	s10 =	sadd.s32 $0x11280, s26;
	s6 =	sand.u32 $0x7C00, s0;
	v11 =	vor.u32 $0x200, v20;
	v28 =	vld.idx.msk [tilespmem:v14+s13+$0x0], $0xffff;
	[tilespmem:s4+$0x0] =	vst v27  }
0xf8: {  	v38 =	vor.u32 $0x280, v20;
	v39 =	vor.u32 $0x280, v23;
	s16 =	sand.u32 $0x70, s5;
	s5 =	sor.u32 s29, s10;
	s4 =	sadd.s32 $0x11000, s6;
	v27 =	vor.u32 $0x280, v14;
	v37 =	vld.idx.msk [tilespmem:v20+s13+$0x0], $0xffff;
	[tilespmem:s2+$0x0] =	vst v19  }
0xf9: {  	v40 =	vor.u32 $0x300, v14;
	v41 =	vor.u32 $0x300, v20;
	v42 =	vor.u32 $0x300, v23;
	s2 =	sor.u32 s7, s4;
	s18 =	sor.u32 s11, s4;
	s17 =	sor.u32 s16, s4;
	v19 =	vld.idx.msk [tilespmem:v23+s13+$0x0], $0xffff;
	[tilespmem:s5+$0x0] =	vst v15  }
0xfa: {  	v13 =	vor.u32 $0x380, v23;
	s19 =	sor.u32 s31, s10;
	s4 =	sor.u32 s12, s4;
	v15 =	vor.u32 $0x380, v14;
	v14 =	vor.u32 $0x380, v20;
	s5 =	sor.u32 s28, s10;
	[tilespmem:s17+$0x0] =	vst v30;
	v20 =	vld.idx.msk [tilespmem:v33+s13+$0x0], $0xffff  }
0xfb: {  	p0 =	slt.u32 s3, $0xFC0;
	s17 =	sor.u32 s30, s10;
	v23 =	vld.idx.msk [tilespmem:v34+s13+$0x0], $0xffff;
	[tilespmem:s9+$0x0] =	vst v32  }
0xfc: {  	v32 =	vor.u32 $0x380, v0;
	v0 =	vmov v21;
	[tilespmem:s8+$0x0] =	vst v35;
	v30 =	vld.idx.msk [tilespmem:v10+s13+$0x0], $0xffff;
	v10 =	vmov v36  }
0xfd: {  	v21 =	vor.u32 $0x100, v0;
	[tilespmem:s2+$0x0] =	vst v28;
	v28 =	vld.idx.msk [tilespmem:v7+s13+$0x0], $0xffff;
	v7 =	vmov v27  }
0xfe: {  	s2 =	sadd.s32 $0x11300, s26;
	v22 =	vld.idx.msk [tilespmem:v22+s13+$0x0], $0xffff;
	[tilespmem:s18+$0x0] =	vst v37  }
0xff: {  	s8 =	sadd.s32 $0x11080, s6;
	s9 =	sor.u32 s31, s2;
	v24 =	vld.idx.msk [tilespmem:v24+s13+$0x0], $0xffff;
	[tilespmem:s4+$0x0] =	vst v19;
	s4 =	sor.u32 s29, s2  }
0x100: {  	s20 =	sor.u32 s11, s8;
	s10 =	sor.u32 s16, s8;
	s18 =	sor.u32 s7, s8;
	v19 =	vld.idx.msk [tilespmem:v29+s13+$0x0], $0xffff;
	[tilespmem:s4+$0x0] =	vst v20  }
0x101: {  	s4 =	sor.u32 s12, s8;
	s8 =	sor.u32 s30, s2;
	[tilespmem:s10+$0x0] =	vst v23;
	s10 =	sor.u32 s28, s2;
	v27 =	vld.idx.msk [tilespmem:v32+s13+$0x0], $0xffff  }
0x102: {  	v21 =	vld.idx.msk [tilespmem:v21+s13+$0x0], $0xffff;
	[tilespmem:s15+$0x0] =	vst v30  }
0x103: {  	[tilespmem:s19+$0x0] =	vst v28;
	v28 =	vld.idx.msk [tilespmem:v9+s13+$0x0], $0xffff;
	v9 =	vmov v38  }
0x104: {  	s2 =	sadd.s32 $0x11380, s26;
	s26 =	smov.u32 s6;
	[tilespmem:s18+$0x0] =	vst v22;
	v22 =	vor.u32 $0x180, v0;
	v29 =	vld.idx.msk [tilespmem:v8+s13+$0x0], $0xffff;
	v8 =	vmov v39  }
0x105: {  	s15 =	sadd.s32 $0x11100, s26;
	v25 =	vld.idx.msk [tilespmem:v25+s13+$0x0], $0xffff;
	[tilespmem:s20+$0x0] =	vst v24  }
0x106: {  	s6 =	sor.u32 s31, s2;
	s19 =	sor.u32 s7, s15;
	v20 =	vld.idx.msk [tilespmem:v26+s13+$0x0], $0xffff;
	[tilespmem:s4+$0x0] =	vst v19;
	s4 =	sor.u32 s29, s2  }
.Ltmp1:
0x107: {  	s18 =	sor.u32 s11, s15;
	s20 =	sor.u32 s16, s15;
	v23 =	vld.idx.msk [tilespmem:v31+s13+$0x0], $0xffff;
	[tilespmem:s4+$0x0] =	vst v27;
	(pc) =	sbr.rel @p0 .LBB2_5-.Ltmp1, $4  }
0x108: {  	s15 =	sor.u32 s12, s15;
	s4 =	sor.u32 s28, s2;
	s2 =	sor.u32 s30, s2;
	[tilespmem:s20+$0x0] =	vst v21;
	v19 =	vld.idx.msk [tilespmem:v5+s13+$0x0], $0xffff;
	v5 =	vmov v40  }
0x109: {  	s31 =	smov.u32 s7;
	s28 =	smov.u32 s11;
	s30 =	smov.u32 s12;
	v24 =	vld.idx.msk [tilespmem:v22+s13+$0x0], $0xffff;
	[tilespmem:s5+$0x0] =	vst v28  }
0x10a: {  	s29 =	smov.u32 s16;
	v22 =	vld.idx.msk [tilespmem:v6+s13+$0x0], $0xffff;
	[tilespmem:s17+$0x0] =	vst v29;
	v6 =	vmov v41  }
0x10b: {  	s1 =	sadd.s32 $0x40, s1;
	[tilespmem:s19+$0x0] =	vst v25;
	v25 =	vor.u32 $0x200, v0;
	v21 =	vld.idx.msk [tilespmem:v4+s13+$0x0], $0xffff;
	v4 =	vmov v42  }
0x10c: {  	_ =	sdelay $0x3  }
0x10d: {  	[tilespmem:s18+$0x0] =	vst v20;
	v16 =	vld.idx.msk [tilespmem:v16+s13+$0x0], $0xffff  }
0x10e: {  	[tilespmem:s15+$0x0] =	vst v23;
	v18 =	vld.idx.msk [tilespmem:v18+s13+$0x0], $0xffff  }
0x10f: {  	s0 =	sadd.s32 $0x11180, s26;
	v17 =	vld.idx.msk [tilespmem:v17+s13+$0x0], $0xffff  }
0x110: {  	s1 =	sor.u32 s29, s0  }
0x111: {  	s3 =	sor.u32 s31, s0;
	[tilespmem:s1+$0x0] =	vst v24  }
0x112: {  	s23 =	sor.u32 s28, s0;
	v20 =	vld.idx.msk [tilespmem:v25+s13+$0x0], $0xffff;
	[tilespmem:s3+$0x0] =	vst v16  }
0x113: {  	s0 =	sor.u32 s30, s0;
	v16 =	vor.u32 $0x280, v0;
	[tilespmem:s23+$0x0] =	vst v18;
	v12 =	vld.idx.msk [tilespmem:v12+s13+$0x0], $0xffff  }
0x114: {  	[tilespmem:s0+$0x0] =	vst v17;
	v11 =	vld.idx.msk [tilespmem:v11+s13+$0x0], $0xffff  }
0x115: {  	s24 =	sadd.s32 $0x11200, s26;
	v10 =	vld.idx.msk [tilespmem:v10+s13+$0x0], $0xffff  }
0x116: {  	s5 =	sor.u32 s29, s24  }
0x117: {  	s7 =	sor.u32 s31, s24;
	[tilespmem:s5+$0x0] =	vst v20  }
0x118: {  	s11 =	sor.u32 s28, s24;
	v16 =	vld.idx.msk [tilespmem:v16+s13+$0x0], $0xffff;
	[tilespmem:s7+$0x0] =	vst v12  }
0x119: {  	s0 =	sor.u32 s30, s24;
	v12 =	vor.u32 $0x300, v0;
	[tilespmem:s11+$0x0] =	vst v11;
	v7 =	vld.idx.msk [tilespmem:v7+s13+$0x0], $0xffff  }
0x11a: {  	[tilespmem:s0+$0x0] =	vst v10;
	v9 =	vld.idx.msk [tilespmem:v9+s13+$0x0], $0xffff  }
0x11b: {  	s12 =	sadd.s32 $0x11280, s26;
	[tilespmem:s9+$0x0] =	vst v19;
	v8 =	vld.idx.msk [tilespmem:v8+s13+$0x0], $0xffff  }
0x11c: {  	s15 =	sor.u32 s29, s12;
	[tilespmem:s10+$0x0] =	vst v22  }
0x11d: {  	s16 =	sor.u32 s31, s12;
	v3 =	vld.idx.msk [tilespmem:v3+s13+$0x0], $0xffff;
	[tilespmem:s15+$0x0] =	vst v16  }
0x11e: {  	s17 =	sor.u32 s28, s12;
	v10 =	vld.idx.msk [tilespmem:v12+s13+$0x0], $0xffff;
	[tilespmem:s16+$0x0] =	vst v7  }
0x11f: {  	v0 =	vor.u32 $0x380, v0;
	s0 =	sor.u32 s30, s12;
	v5 =	vld.idx.msk [tilespmem:v5+s13+$0x0], $0xffff;
	[tilespmem:s17+$0x0] =	vst v9  }
0x120: {  	[tilespmem:s0+$0x0] =	vst v8;
	v6 =	vld.idx.msk [tilespmem:v6+s13+$0x0], $0xffff  }
0x121: {  	s18 =	sadd.s32 $0x11300, s26;
	[tilespmem:s8+$0x0] =	vst v21;
	v4 =	vld.idx.msk [tilespmem:v4+s13+$0x0], $0xffff  }
0x122: {  	s19 =	sor.u32 s29, s18;
	v1 =	vld.idx.msk [tilespmem:v1+s13+$0x0], $0xffff;
	[tilespmem:s6+$0x0] =	vst v3  }
0x123: {  	s20 =	sor.u32 s31, s18;
	v2 =	vld.idx.msk [tilespmem:v2+s13+$0x0], $0xffff;
	[tilespmem:s19+$0x0] =	vst v10  }
0x124: {  	s23 =	sor.u32 s28, s18;
	v0 =	vld.idx.msk [tilespmem:v0+s13+$0x0], $0xffff;
	[tilespmem:s20+$0x0] =	vst v5  }
0x125: {  	s0 =	sor.u32 s30, s18;
	[tilespmem:s23+$0x0] =	vst v6;
	v3 =	vld.idx.msk [tilespmem:v15+s13+$0x0], $0xffff  }
0x126: {  	[tilespmem:s0+$0x0] =	vst v4;
	v4 =	vld.idx.msk [tilespmem:v14+s13+$0x0], $0xffff  }
0x127: {  	s24 =	sadd.s32 $0x11380, s26;
	[tilespmem:s4+$0x0] =	vst v1;
	v1 =	vld.idx.msk [tilespmem:v13+s13+$0x0], $0xffff  }
0x128: {  	s26 =	sor.u32 s29, s24;
	[tilespmem:s2+$0x0] =	vst v2  }
0x129: {  	s31 =	sor.u32 s31, s24;
	[tilespmem:s26+$0x0] =	vst v0  }
0x12a: {  	s3 =	sor.u32 s28, s24;
	[tilespmem:s31+$0x0] =	vst v3  }
0x12b: {  	s0 =	sor.u32 s30, s24;
	[tilespmem:s3+$0x0] =	vst v4  }
0x12c: {  	[tilespmem:s0+$0x0] =	vst v1  }
0x12d: {  	s0 =	rddreg [dreg:$0xa]  }
0x12e: {  	s4 =	simm.s32 $0x15000;
	s5 =	rddreg [dreg:$0xe];
	s0 =	sadd.s32 s25, s0  }
0x12f: {  	[hbm4b:s0+s21] =	stream.linear.scatter [tilespmem:s4], [sflag:$0x4], $0x4000, $0x38;
	[tilespmem:$0x19000] =	vst v63  }
0x130: {  	p0 =	seq.s32 s5, $0x1F;
	s0 =	rddreg [dreg:$0xb]  }
0x131: {  	s0 =	sadd.s32 @!p0 s22, s0  }
0x132: {  	s1 =	rddreg [dreg:$0x0];
	s6 =	simm.s32 $0x2;
	s0 =	sshrl.u32 @!p0 s0, $0x3  }
0x133: {  	s2 =	simm.s32 @!p0 $0x1000;
	s0 =	sadd.s32 @!p0 s1, s0;
	s1 =	simm.s32 @!p0 $0x0  }
0x134: {  	[tilespmem:s2], [sflag:$0x1] =	stream.linear.gather @!p0 [hbm4b:s0+s1], $0x8000, $0x38;
	[tilespmem:$0x19000] =	vst v63  }
0x135: {  	_ =	swait.ge [sflag:s6], $0x8000  }
0x136: {  	[sflag:s6] =	ssyncset.done $0x0  }
0x137: {  	s7 =	simm.s32 $0x3;
	[sflag:s6] =	ssyncadd.s32 $0xFFFF8000  }
0x138: {  	_ =	swait.ge [sflag:s7], $0x4000  }
0x139: {  	[sflag:s7] =	ssyncset.done $0x0  }
0x13a: {  	s8 =	simm.s32 $0x20;
	[sflag:s7] =	ssyncadd.s32 $0xFFFFC000  }
0x13b: {  	v0 =	vld [tilespmem:s8+$0x10];
	_ =	sdelay $0x3  }
0x13c: {  	v1 =	vld [tilespmem:s8+$0xFFFFFFE0]  }
0x13d: {  	v2 =	vld [tilespmem:s8+$0xFFFFFFF0];
	v3 =	vshll.u32 v0, $0x3  }
0x13e: {  	v0 =	vand.u32 $0x7F, v0;
	v3 =	vand.u32 $0xFFFFFC00, v3  }
0x13f: {  	v4 =	vor.u32 v0, v3;
	v0 =	vld [tilespmem:s8+$0x0];
	_ =	sdelay $0x1  }
0x140: {  	v3 =	vshll.u32 v1, $0x3  }
0x141: {  	v5 =	vshll.u32 v2, $0x3;
	v1 =	vand.u32 $0x7F, v1;
	v3 =	vand.u32 $0xFFFFFC00, v3  }
0x142: {  	v6 =	vand.u32 $0x7F, v2;
	v5 =	vand.u32 $0xFFFFFC00, v5;
	v2 =	vor.u32 v1, v3  }
0x143: {  	v1 =	vor.u32 v6, v5;
	v5 =	vld.idx.msk [tilespmem:v4+s14+$0x0], $0xffff;
	v3 =	vshll.u32 v0, $0x3  }
0x144: {  	s24 =	simm.s32 $0x0;
	v6 =	vor.u32 $0x80, v4;
	v0 =	vand.u32 $0x7F, v0;
	v3 =	vand.u32 $0xFFFFFC00, v3  }
0x145: {  	s10 =	simm.s32 $0x30;
	s9 =	sand.u32 $0x3C00, s24;
	v3 =	vor.u32 v0, v3  }
0x146: {  	s0 =	sadd.s32 $0x11000, s9;
	s1 =	sand.u32 $0x70, s10  }
0x147: {  	s11 =	sor.u32 s1, s0;
	v0 =	vld.idx.msk [tilespmem:v2+s14+$0x0], $0xffff  }
0x148: {  	v7 =	vor.u32 $0x80, v2;
	v8 =	vld.idx.msk [tilespmem:v1+s14+$0x0], $0xffff;
	[tilespmem:s11+$0x0] =	vst v5  }
0x149: {  	s12 =	simm.s32 $0x0;
	v5 =	vor.u32 $0x80, v1;
	v6 =	vld.idx.msk [tilespmem:v6+s14+$0x0], $0xffff  }
0x14a: {  	s15 =	simm.s32 $0x10;
	s1 =	sand.u32 $0x40, s12;
	v9 =	vor.u32 $0x100, v4;
	v10 =	vld.idx.msk [tilespmem:v3+s14+$0x0], $0xffff  }
0x14b: {  	s16 =	sand.u32 $0x50, s15;
	s17 =	sor.u32 s1, s0;
	v11 =	vor.u32 $0x80, v3  }
0x14c: {  	s19 =	simm.s32 $0x20;
	s18 =	sor.u32 s16, s0;
	[tilespmem:s17+$0x0] =	vst v0  }
0x14d: {  	s4 =	sand.u32 $0x60, s19;
	[tilespmem:s18+$0x0] =	vst v8;
	v0 =	vld.idx.msk [tilespmem:v7+s14+$0x0], $0xffff  }
0x14e: {  	s0 =	sor.u32 s4, s0;
	v7 =	vor.u32 $0x100, v2;
	v5 =	vld.idx.msk [tilespmem:v5+s14+$0x0], $0xffff;
	[tilespmem:s11+$0x80] =	vst v6  }
0x14f: {  	v6 =	vor.u32 $0x100, v1;
	v8 =	vld.idx.msk [tilespmem:v9+s14+$0x0], $0xffff;
	[tilespmem:s0+$0x0] =	vst v10  }
0x150: {  	v10 =	vld.idx.msk [tilespmem:v11+s14+$0x0], $0xffff  }
0x151: {  	s20 =	simm.s32 $0x60;
	v9 =	vor.u32 $0x180, v4  }
0x152: {  	v13 =	vld [tilespmem:s20+$0xFFFFFFF0];
	[tilespmem:s17+$0x80] =	vst v0  }
0x153: {  	v11 =	vor.u32 $0x100, v3;
	v0 =	vld.idx.msk [tilespmem:v7+s14+$0x0], $0xffff;
	[tilespmem:s18+$0x80] =	vst v5  }
0x154: {  	v5 =	vld.idx.msk [tilespmem:v6+s14+$0x0], $0xffff;
	[tilespmem:s11+$0x100] =	vst v8  }
0x155: {  	v8 =	vld [tilespmem:s20+$0x10];
	[tilespmem:s0+$0x80] =	vst v10;
	v10 =	vor.u32 $0x180, v2  }
0x156: {  	v12 =	vor.u32 $0x180, v1;
	v6 =	vld.idx.msk [tilespmem:v9+s14+$0x0], $0xffff  }
0x157: {  	v15 =	vld [tilespmem:s20+$0x0];
	v7 =	vor.u32 $0x200, v4  }
0x158: {  	v9 =	vld.idx.msk [tilespmem:v11+s14+$0x0], $0xffff  }
0x159: {  	v11 =	vld [tilespmem:s20+$0xFFFFFFE0];
	[tilespmem:s17+$0x100] =	vst v0  }
0x15a: {  	[tilespmem:s18+$0x100] =	vst v5;
	v14 =	vshll.u32 v8, $0x3;
	v5 =	vld.idx.msk [tilespmem:v10+s14+$0x0], $0xffff  }
0x15b: {  	v8 =	vand.u32 $0x7F, v8;
	[tilespmem:s11+$0x180] =	vst v6;
	v6 =	vor.u32 $0x180, v3;
	v0 =	vand.u32 $0xFFFFFC00, v14;
	v10 =	vld.idx.msk [tilespmem:v12+s14+$0x0], $0xffff  }
0x15c: {  	s21 =	sand.u32 $0x7, s24;
	v7 =	vld.idx.msk [tilespmem:v7+s14+$0x0], $0xffff;
	v0 =	vor.u32 v8, v0  }
0x15d: {  	s3 =	sshll.u32 s21, $0x4;
	v18 =	vshll.u32 v15, $0x3;
	v8 =	vor.u32 $0x200, v1  }
0x15e: {  	s3 =	sadd.s32 $0x0, s3;
	v16 =	vor.u32 $0x280, v4;
	v17 =	vor.u32 $0x200, v2;
	v12 =	vshll.u32 v11, $0x3;
	[tilespmem:s0+$0x100] =	vst v9  }
0x15f: {  	s4 =	sadd.s32 $0x30, s3;
	v14 =	vshll.u32 v13, $0x3;
	v11 =	vand.u32 $0x7F, v11;
	v9 =	vand.u32 $0xFFFFFC00, v12;
	[tilespmem:s17+$0x180] =	vst v5  }
0x160: {  	s5 =	sor.u32 $0x200, s4;
	v13 =	vand.u32 $0x7F, v13;
	v12 =	vand.u32 $0xFFFFFC00, v14;
	v14 =	vor.u32 v11, v9;
	v6 =	vld.idx.msk [tilespmem:v6+s14+$0x0], $0xffff;
	[tilespmem:s18+$0x180] =	vst v10  }
0x161: {  	v13 =	vor.u32 v13, v12;
	v9 =	vand.u32 $0x7F, v15;
	[tilespmem:s5+$0x11000] =	vst v7;
	v7 =	vand.u32 $0xFFFFFC00, v18;
	v5 =	vld.idx.msk [tilespmem:v0+s14+$0x0], $0xffff  }
0x162: {  	s25 =	simm.s32 $0x200;
	v8 =	vld.idx.msk [tilespmem:v8+s14+$0x0], $0xffff;
	v19 =	vor.u32 v9, v7  }
0x163: {  	s23 =	sand.u32 $0x3C00, s25;
	v10 =	vor.u32 $0x80, v0;
	v11 =	vld.idx.msk [tilespmem:v16+s14+$0x0], $0xffff  }
0x164: {  	s26 =	simm.s32 $0x70;
	s31 =	sadd.s32 $0x11000, s23;
	v7 =	vld.idx.msk [tilespmem:v17+s14+$0x0], $0xffff;
	v9 =	vor.u32 $0x300, v4  }
0x165: {  	p0 =	por $0x0, $0x0;
	s2 =	simm.s32 $0x1;
	s8 =	sand.u32 $0x70, s26;
	v12 =	vor.u32 $0x200, v3;
	v15 =	vld.idx.msk [tilespmem:v14+s14+$0x0], $0xffff  }
0x166: {  	s15 =	simm.s32 $0x60;
	s2 =	simm.s32 @!p0 $0x0;
	s17 =	sor.u32 s8, s31;
	v16 =	vor.u32 $0x280, v2;
	[tilespmem:s0+$0x180] =	vst v6;
	v6 =	vld.idx.msk [tilespmem:v13+s14+$0x0], $0xffff  }
0x167: {  	s22 =	sshll.u32 s2, $0x6;
	s9 =	sor.u32 $0x280, s4;
	s11 =	sadd.s32 $0x10, s3;
	v17 =	vor.u32 $0x80, v14;
	[tilespmem:s17+$0x0] =	vst v5;
	v18 =	vld.idx.msk [tilespmem:v19+s14+$0x0], $0xffff  }
0x168: {  	s1 =	sadd.s32 $0x0, s22;
	s3 =	sor.u32 $0x200, s11;
	s0 =	simm.s32 $0x40;
	[tilespmem:s9+$0x11000] =	vst v11;
	v11 =	vor.u32 $0x80, v13;
	v10 =	vld.idx.msk [tilespmem:v10+s14+$0x0], $0xffff  }
0x169: {  	s10 =	sor.u32 $0x200, s1;
	s7 =	simm.s32 $0x50;
	s12 =	sand.u32 $0x40, s0;
	[tilespmem:s3+$0x11000] =	vst v8;
	v5 =	vld.idx.msk [tilespmem:v9+s14+$0x0], $0xffff;
	v9 =	vor.u32 $0x80, v19  }
0x16a: {  	s16 =	sand.u32 $0x3, s24;
	s7 =	sand.u32 $0x50, s7;
	v8 =	vor.u32 $0x100, v0;
	[tilespmem:s10+$0x11000] =	vst v7;
	s21 =	sor.u32 s12, s31;
	v7 =	vld.idx.msk [tilespmem:v12+s14+$0x0], $0xffff  }
0x16b: {  	s2 =	sor.u32 s7, s31;
	s18 =	sand.u32 $0x60, s15;
	s3 =	sshll.u32 s16, $0x5;
	[tilespmem:s21+$0x0] =	vst v15;
	v12 =	vld.idx.msk [tilespmem:v16+s14+$0x0], $0xffff;
	v15 =	vor.u32 $0x280, v1  }
0x16c: {  	s7 =	sor.u32 s18, s31;
	v4 =	vor.u32 $0x380, v4;
	s3 =	sadd.s32 $0x0, s3;
	v16 =	vld.idx.msk [tilespmem:v17+s14+$0x0], $0xffff;
	[tilespmem:s2+$0x0] =	vst v6  }
0x16d: {  	v20 =	vor.u32 $0x300, v2;
	s20 =	sadd.s32 $0x20, s3;
	v11 =	vld.idx.msk [tilespmem:v11+s14+$0x0], $0xffff;
	[tilespmem:s7+$0x0] =	vst v18  }
0x16e: {  	s3 =	sor.u32 $0x200, s20;
	v6 =	vor.u32 $0x280, v3;
	[tilespmem:s17+$0x80] =	vst v10;
	v9 =	vld.idx.msk [tilespmem:v9+s14+$0x0], $0xffff  }
0x16f: {  	s19 =	sor.u32 $0x300, s4;
	v17 =	vor.u32 $0x100, v14;
	[tilespmem:s3+$0x11000] =	vst v7;
	v8 =	vld.idx.msk [tilespmem:v8+s14+$0x0], $0xffff  }
0x170: {  	p0 =	por !p0, !p0;
	s6 =	simm.s32 $0x1;
	s22 =	sor.u32 $0x280, s1;
	[tilespmem:s19+$0x11000] =	vst v5;
	v5 =	vor.u32 $0x100, v13;
	v22 =	vld.idx.msk [tilespmem:v15+s14+$0x0], $0xffff  }
0x171: {  	s4 =	sor.u32 $0x380, s4;
	s6 =	simm.s32 @!p0 $0x0;
	v10 =	vor.u32 $0x100, v19;
	[tilespmem:s22+$0x11000] =	vst v12;
	v4 =	vld.idx.msk [tilespmem:v4+s14+$0x0], $0xffff  }
0x172: {  	s6 =	sshll.u32 s6, $0x6;
	s23 =	sor.u32 $0x280, s11;
	s16 =	sor.u32 $0x300, s11;
	[tilespmem:s21+$0x80] =	vst v16;
	v16 =	vor.u32 $0x180, v0;
	v20 =	vld.idx.msk [tilespmem:v20+s14+$0x0], $0xffff  }
0x173: {  	v26 =	vor.u32 $0x300, v1;
	v27 =	vor.u32 $0x300, v3;
	v2 =	vor.u32 $0x380, v2;
	s12 =	simm.s32 $0x2;
	s10 =	sor.u32 $0x380, s11;
	s31 =	sadd.s32 $0x200, s6;
	v25 =	vld.idx.msk [tilespmem:v6+s14+$0x0], $0xffff;
	[tilespmem:s2+$0x80] =	vst v11  }
0x174: {  	s26 =	sand.u32 $0x3, s12;
	v1 =	vor.u32 $0x380, v1;
	s6 =	sor.u32 $0x200, s31;
	s9 =	sor.u32 $0x300, s31;
	v3 =	vor.u32 $0x380, v3;
	v18 =	vor.u32 $0x180, v13;
	v28 =	vld.idx.msk [tilespmem:v17+s14+$0x0], $0xffff;
	[tilespmem:s7+$0x80] =	vst v9  }
0x175: {  	s30 =	sor.u32 $0x380, s31;
	s15 =	sor.u32 $0x280, s20;
	s8 =	sshll.u32 s26, $0x5;
	v7 =	vor.u32 $0x280, v14;
	v15 =	vor.u32 $0x180, v14;
	v12 =	vor.u32 $0x200, v14;
	v21 =	vld.idx.msk [tilespmem:v5+s14+$0x0], $0xffff;
	[tilespmem:s17+$0x100] =	vst v8  }
0x176: {  	s28 =	sor.u32 $0x380, s20;
	s8 =	sadd.s32 $0x200, s8;
	s3 =	sor.u32 $0x300, s1;
	v17 =	vor.u32 $0x180, v19;
	v6 =	vor.u32 $0x300, v13;
	v11 =	vor.u32 $0x200, v13;
	[tilespmem:s23+$0x11000] =	vst v22;
	v23 =	vld.idx.msk [tilespmem:v10+s14+$0x0], $0xffff  }
0x177: {  	s1 =	sor.u32 $0x380, s1;
	s19 =	sor.u32 $0x300, s20;
	s20 =	sadd.s32 $0x20, s8;
	v9 =	vor.u32 $0x280, v13;
	v8 =	vor.u32 $0x280, v19;
	v5 =	vor.u32 $0x300, v19;
	[tilespmem:s4+$0x11000] =	vst v4;
	v24 =	vld.idx.msk [tilespmem:v16+s14+$0x0], $0xffff  }
0x178: {  	s8 =	sor.u32 $0x200, s20;
	s11 =	sor.u32 $0x280, s20;
	s18 =	sor.u32 $0x300, s20;
	v10 =	vor.u32 $0x200, v19;
	v4 =	vor.u32 $0x300, v14;
	v16 =	vor.u32 $0x380, v14;
	v22 =	vld.idx.msk [tilespmem:v26+s14+$0x0], $0xffff;
	[tilespmem:s15+$0x11000] =	vst v25  }
0x179: {  	s29 =	sor.u32 $0x380, s20;
	s4 =	sor.u32 $0x280, s31;
	v14 =	vor.u32 $0x380, v13;
	v13 =	vor.u32 $0x380, v19;
	[tilespmem:s21+$0x100] =	vst v28;
	v25 =	vor.u32 $0x200, v0;
	s15 =	simm.s32 $0xA0;
	v19 =	vld.idx.msk [tilespmem:v27+s14+$0x0], $0xffff  }
.LBB2_7:
0x17a: {  	v26 =	vld [tilespmem:s15+$0x10];
	[tilespmem:s2+$0x100] =	vst v21  }
0x17b: {  	v21 =	vld [tilespmem:s15+$0xFFFFFFE0];
	[tilespmem:s7+$0x100] =	vst v23  }
0x17c: {  	v23 =	vld [tilespmem:s15+$0xFFFFFFF0];
	[tilespmem:s3+$0x11000] =	vst v20  }
0x17d: {  	v20 =	vld [tilespmem:s15+$0x0];
	[tilespmem:s17+$0x180] =	vst v24  }
0x17e: {  	v24 =	vld.idx.msk [tilespmem:v25+s14+$0x0], $0xffff  }
0x17f: {  	s24 =	sadd.s32 $0x4, s24;
	[tilespmem:s16+$0x11000] =	vst v22;
	v22 =	vshll.u32 v26, $0x3;
	v15 =	vld.idx.msk [tilespmem:v15+s14+$0x0], $0xffff  }
0x180: {  	s23 =	sand.u32 $0x7, s24;
	[tilespmem:s19+$0x11000] =	vst v19;
	v18 =	vld.idx.msk [tilespmem:v18+s14+$0x0], $0xffff;
	v25 =	vor.u32 $0x280, v0;
	v19 =	vand.u32 $0xFFFFFC00, v22;
	v22 =	vand.u32 $0x7F, v26  }
0x181: {  	s3 =	smov.u32 s9;
	s9 =	sshll.u32 s23, $0x4;
	v17 =	vld.idx.msk [tilespmem:v17+s14+$0x0], $0xffff;
	v19 =	vor.u32 v22, v19;
	v26 =	vshll.u32 v21, $0x3;
	v27 =	vshll.u32 v23, $0x3  }
0x182: {  	s9 =	sadd.s32 s9, s25;
	v28 =	vld.idx.msk [tilespmem:v2+s14+$0x0], $0xffff;
	v22 =	vand.u32 $0xFFFFFC00, v26;
	v26 =	vand.u32 $0xFFFFFC00, v27;
	v27 =	vshll.u32 v20, $0x3  }
0x183: {  	s5 =	smov.u32 s0;
	p0 =	por !p0, !p0;
	v2 =	vmovc v16;
	s20 =	sadd.s32 $0x30, s9;
	v16 =	vand.u32 $0x7F, v21;
	v21 =	vand.u32 $0x7F, v23;
	v23 =	vand.u32 $0xFFFFFC00, v27;
	v27 =	vld.idx.msk [tilespmem:v1+s14+$0x0], $0xffff  }
0x184: {  	s19 =	smov.u32 s18;
	s17 =	simm.s32 $0x1;
	s18 =	sor.u32 $0x200, s20;
	[tilespmem:s21+$0x180] =	vst v15;
	v1 =	vmov v14;
	v14 =	vor.u32 v16, v22;
	v16 =	vand.u32 $0x7F, v20;
	v20 =	vld.idx.msk [tilespmem:v3+s14+$0x0], $0xffff  }
0x185: {  	s22 =	sadd.s32 $0x50, s5;
	s17 =	simm.s32 @!p0 $0x0;
	[tilespmem:s18+$0x11000] =	vst v24;
	v21 =	vor.u32 v21, v26;
	v32 =	vld.idx.msk [tilespmem:v12+s14+$0x0], $0xffff  }
0x186: {  	s25 =	sadd.s32 $0x200, s25;
	s26 =	sadd.s32 $0x10, s9;
	s9 =	sand.u32 $0x50, s22;
	[tilespmem:s2+$0x180] =	vst v18;
	v23 =	vor.u32 v16, v23;
	v16 =	vld.idx.msk [tilespmem:v25+s14+$0x0], $0xffff  }
0x187: {  	v33 =	vor.u32 $0x300, v0;
	s31 =	sor.u32 $0x200, s26;
	s16 =	sor.u32 $0x280, s26;
	s23 =	sor.u32 $0x380, s26;
	v34 =	vor.u32 $0x80, v19;
	[tilespmem:s7+$0x180] =	vst v17;
	v30 =	vld.idx.msk [tilespmem:v19+s14+$0x0], $0xffff  }
0x188: {  	[dreg:$0x6] =	wrdreg s16;
	s16 =	sor.u32 $0x300, s26;
	s26 =	sadd.s32 $0x60, s5;
	[tilespmem:s1+$0x11000] =	vst v28;
	v22 =	vor.u32 $0x80, v14;
	v24 =	vor.u32 $0x80, v21;
	v25 =	vor.u32 $0x100, v14;
	v35 =	vld.idx.msk [tilespmem:v11+s14+$0x0], $0xffff  }
0x189: {  	s5 =	sadd.s32 $0x70, s5;
	s22 =	sand.u32 $0x60, s26;
	s21 =	sand.u32 $0x3C00, s25;
	v26 =	vor.u32 $0x100, v21;
	v15 =	vor.u32 $0x180, v14;
	v18 =	vor.u32 $0x180, v21;
	v28 =	vld.idx.msk [tilespmem:v14+s14+$0x0], $0xffff;
	[tilespmem:s10+$0x11000] =	vst v27  }
0x18a: {  	s5 =	sand.u32 $0x70, s5;
	s26 =	sor.u32 $0x280, s20;
	v12 =	vor.u32 $0x200, v14;
	v11 =	vor.u32 $0x200, v21;
	v38 =	vor.u32 $0x280, v21;
	s10 =	sadd.s32 $0x11000, s21;
	[tilespmem:s28+$0x11000] =	vst v20;
	v37 =	vld.idx.msk [tilespmem:v21+s14+$0x0], $0xffff  }
0x18b: {  	s0 =	sadd.s32 $0x40, s0;
	s7 =	sshll.u32 s17, $0x6;
	v40 =	vor.u32 $0x300, v14;
	v41 =	vor.u32 $0x300, v21;
	v29 =	vor.u32 $0x80, v23;
	v20 =	vld.idx.msk [tilespmem:v23+s14+$0x0], $0xffff;
	s17 =	sor.u32 s5, s10;
	[tilespmem:s26+$0x11000] =	vst v16  }
0x18c: {  	s2 =	sand.u32 $0x40, s0;
	v31 =	vor.u32 $0x100, v23;
	v17 =	vor.u32 $0x180, v23;
	v36 =	vor.u32 $0x200, v23;
	v60 =	vld.idx.msk [tilespmem:v10+s14+$0x0], $0xffff;
	[tilespmem:s17+$0x0] =	vst v30  }
0x18d: {  	v27 =	vor.u32 $0x280, v14;
	[tilespmem:s6+$0x11000] =	vst v32;
	s21 =	sor.u32 s2, s10;
	v16 =	vor.u32 $0x380, v14;
	v14 =	vor.u32 $0x380, v21;
	v21 =	vld.idx.msk [tilespmem:v33+s14+$0x0], $0xffff  }
0x18e: {  	v3 =	vmovc v13;
	v39 =	vor.u32 $0x280, v23;
	v42 =	vor.u32 $0x300, v23;
	v13 =	vor.u32 $0x380, v23;
	v23 =	vld.idx.msk [tilespmem:v34+s14+$0x0], $0xffff;
	[tilespmem:s21+$0x0] =	vst v28  }
0x18f: {  	s2 =	sor.u32 s9, s10;
	[tilespmem:s31+$0x11000] =	vst v35;
	v28 =	vld.idx.msk [tilespmem:v7+s14+$0x0], $0xffff  }
0x190: {  	v61 =	vor.u32 $0x380, v0;
	v0 =	vmov v19;
	s28 =	sadd.s32 s7, s25;
	s7 =	sor.u32 s22, s10;
	v22 =	vld.idx.msk [tilespmem:v22+s14+$0x0], $0xffff;
	[tilespmem:s2+$0x0] =	vst v37  }
0x191: {  	v19 =	vor.u32 $0x100, v0;
	[tilespmem:s7+$0x0] =	vst v20;
	v24 =	vld.idx.msk [tilespmem:v24+s14+$0x0], $0xffff  }
0x192: {  	s12 =	sadd.s32 $0x2, s12;
	s10 =	smov.u32 s23;
	s23 =	sor.u32 $0x300, s20;
	v20 =	vld.idx.msk [tilespmem:v29+s14+$0x0], $0xffff;
	[tilespmem:s8+$0x11000] =	vst v60  }
0x193: {  	s18 =	sand.u32 $0x3, s12;
	v62 =	vld.idx.msk [tilespmem:v9+s14+$0x0], $0xffff;
	[tilespmem:s23+$0x11000] =	vst v21  }
0x194: {  	s18 =	sshll.u32 s18, $0x5;
	v63 =	vld.idx.msk [tilespmem:v8+s14+$0x0], $0xffff;
	[tilespmem:s17+$0x80] =	vst v23  }
0x195: {  	s1 =	sadd.s32 s25, s18;
	v7 =	vmov v27;
	v27 =	vld.idx.msk [tilespmem:v61+s14+$0x0], $0xffff;
	[tilespmem:s4+$0x11000] =	vst v28  }
0x196: {  	p1 =	slt.u32 s0, $0x7C0;
	s1 =	sadd.s32 $0x20, s1;
	v19 =	vld.idx.msk [tilespmem:v19+s14+$0x0], $0xffff;
	[tilespmem:s21+$0x80] =	vst v22  }
0x197: {  	s18 =	sor.u32 $0x300, s1;
	s22 =	sor.u32 $0x200, s1;
	s5 =	sor.u32 $0x280, s1;
	v22 =	vor.u32 $0x180, v0;
	[tilespmem:s2+$0x80] =	vst v24;
	v25 =	vld.idx.msk [tilespmem:v25+s14+$0x0], $0xffff  }
0x198: {  	s6 =	sor.u32 $0x200, s28;
	s26 =	sor.u32 $0x280, s28;
	s9 =	sor.u32 $0x300, s28;
	[tilespmem:s7+$0x80] =	vst v20;
	v21 =	vld.idx.msk [tilespmem:v26+s14+$0x0], $0xffff  }
.Ltmp2:
0x199: {  	s28 =	sor.u32 $0x380, s28;
	s20 =	sor.u32 $0x380, s20;
	v23 =	vld.idx.msk [tilespmem:v31+s14+$0x0], $0xffff;
	[tilespmem:s11+$0x11000] =	vst v63;
	(pc) =	sbr.rel @p1 .LBB2_7-.Ltmp2, $4  }
0x19a: {  	s31 =	sor.u32 $0x380, s1;
	s1 =	smov.u32 s30;
	s30 =	smov.u32 s28;
	v20 =	vld.idx.msk [tilespmem:v4+s14+$0x0], $0xffff;
	[tilespmem:s20+$0x11000] =	vst v27  }
0x19b: {  	s28 =	smov.u32 s29;
	s29 =	smov.u32 s31;
	s31 =	rddreg [dreg:$0x6];
	[tilespmem:s17+$0x100] =	vst v19;
	v19 =	vld.idx.msk [tilespmem:v5+s14+$0x0], $0xffff  }
0x19c: {  	s15 =	sadd.s32 $0x40, s15;
	v10 =	vmov v36;
	v9 =	vmov v38;
	[tilespmem:s31+$0x11000] =	vst v62;
	v24 =	vld.idx.msk [tilespmem:v22+s14+$0x0], $0xffff  }
0x19d: {  	s8 =	smov.u32 s22;
	v8 =	vmovc v39;
	s4 =	smov.u32 s26;
	v4 =	vmovc v40;
	s11 =	smov.u32 s5;
	v5 =	vmov v42;
	v22 =	vld.idx.msk [tilespmem:v6+s14+$0x0], $0xffff;
	v6 =	vmov v41;
	[tilespmem:s21+$0x100] =	vst v25;
	v25 =	vor.u32 $0x200, v0  }
0x19e: {  	_ =	sdelay $0x3  }
0x19f: {  	[tilespmem:s2+$0x100] =	vst v21;
	v15 =	vld.idx.msk [tilespmem:v15+s14+$0x0], $0xffff  }
0x1a0: {  	[tilespmem:s7+$0x100] =	vst v23;
	v18 =	vld.idx.msk [tilespmem:v18+s14+$0x0], $0xffff  }
0x1a1: {  	v17 =	vld.idx.msk [tilespmem:v17+s14+$0x0], $0xffff;
	_ =	sdelay $0x1  }
0x1a2: {  	s0 =	sadd.s32 $0x4, s24;
	[tilespmem:s17+$0x180] =	vst v24  }
0x1a3: {  	s0 =	sand.u32 $0x7, s0;
	[tilespmem:s21+$0x180] =	vst v15;
	v15 =	vld.idx.msk [tilespmem:v25+s14+$0x0], $0xffff  }
0x1a4: {  	s0 =	sshll.u32 s0, $0x4;
	[tilespmem:s2+$0x180] =	vst v18;
	v18 =	vor.u32 $0x280, v0;
	v12 =	vld.idx.msk [tilespmem:v12+s14+$0x0], $0xffff  }
0x1a5: {  	s0 =	sadd.s32 s0, s25;
	[tilespmem:s7+$0x180] =	vst v17;
	v11 =	vld.idx.msk [tilespmem:v11+s14+$0x0], $0xffff  }
0x1a6: {  	s21 =	sadd.s32 $0x30, s0;
	v10 =	vld.idx.msk [tilespmem:v10+s14+$0x0], $0xffff  }
0x1a7: {  	s5 =	sor.u32 $0x200, s21  }
0x1a8: {  	s0 =	sadd.s32 $0x10, s0;
	[tilespmem:s5+$0x11000] =	vst v15  }
0x1a9: {  	s22 =	sor.u32 $0x200, s0;
	v15 =	vld.idx.msk [tilespmem:v18+s14+$0x0], $0xffff;
	[tilespmem:s6+$0x11000] =	vst v12  }
0x1aa: {  	v12 =	vor.u32 $0x300, v0;
	[tilespmem:s22+$0x11000] =	vst v11;
	v7 =	vld.idx.msk [tilespmem:v7+s14+$0x0], $0xffff  }
0x1ab: {  	[tilespmem:s8+$0x11000] =	vst v10;
	v9 =	vld.idx.msk [tilespmem:v9+s14+$0x0], $0xffff  }
0x1ac: {  	[tilespmem:s3+$0x11000] =	vst v20;
	v8 =	vld.idx.msk [tilespmem:v8+s14+$0x0], $0xffff  }
0x1ad: {  	[tilespmem:s19+$0x11000] =	vst v19;
	s23 =	sor.u32 $0x280, s21  }
0x1ae: {  	v2 =	vld.idx.msk [tilespmem:v2+s14+$0x0], $0xffff;
	[tilespmem:s23+$0x11000] =	vst v15  }
0x1af: {  	s24 =	sor.u32 $0x280, s0;
	v10 =	vld.idx.msk [tilespmem:v12+s14+$0x0], $0xffff;
	[tilespmem:s4+$0x11000] =	vst v7  }
0x1b0: {  	v0 =	vor.u32 $0x380, v0;
	v4 =	vld.idx.msk [tilespmem:v4+s14+$0x0], $0xffff;
	[tilespmem:s24+$0x11000] =	vst v9  }
0x1b1: {  	[tilespmem:s11+$0x11000] =	vst v8;
	v6 =	vld.idx.msk [tilespmem:v6+s14+$0x0], $0xffff  }
0x1b2: {  	[tilespmem:s16+$0x11000] =	vst v22;
	v5 =	vld.idx.msk [tilespmem:v5+s14+$0x0], $0xffff  }
0x1b3: {  	v1 =	vld.idx.msk [tilespmem:v1+s14+$0x0], $0xffff;
	s25 =	sor.u32 $0x300, s21;
	[tilespmem:s1+$0x11000] =	vst v2  }
0x1b4: {  	v2 =	vld.idx.msk [tilespmem:v3+s14+$0x0], $0xffff;
	[tilespmem:s25+$0x11000] =	vst v10  }
0x1b5: {  	s26 =	sor.u32 $0x300, s0;
	v0 =	vld.idx.msk [tilespmem:v0+s14+$0x0], $0xffff;
	[tilespmem:s9+$0x11000] =	vst v4  }
0x1b6: {  	[tilespmem:s26+$0x11000] =	vst v6;
	v3 =	vld.idx.msk [tilespmem:v16+s14+$0x0], $0xffff  }
0x1b7: {  	[tilespmem:s18+$0x11000] =	vst v5;
	v4 =	vld.idx.msk [tilespmem:v14+s14+$0x0], $0xffff  }
0x1b8: {  	[tilespmem:s10+$0x11000] =	vst v1;
	v1 =	vld.idx.msk [tilespmem:v13+s14+$0x0], $0xffff  }
0x1b9: {  	s31 =	sor.u32 $0x380, s21;
	[tilespmem:s28+$0x11000] =	vst v2  }
0x1ba: {  	[tilespmem:s31+$0x11000] =	vst v0  }
0x1bb: {  	s0 =	sor.u32 $0x380, s0;
	[tilespmem:s30+$0x11000] =	vst v3  }
0x1bc: {  	[tilespmem:s0+$0x11000] =	vst v4  }
0x1bd: {  	s2 =	rddreg [dreg:$0x2];
	[tilespmem:s29+$0x11000] =	vst v1  }
0x1be: {  	s3 =	simm.s32 $0x11000;
	s22 =	rddreg [dreg:$0xf]  }
0x1bf: {  	s21 =	simm.s32 $0x0;
	s4 =	simm.s32 $0x4;
	s0 =	sadd.s32 s2, s22  }
0x1c0: {  	[hbm4b:s0+s21] =	stream.linear.scatter [tilespmem:s3], [sflag:$0x3], $0x4000, $0x38;
	[tilespmem:$0x19000] =	vst v63  }
0x1c1: {  	_ =	swait.ge [sflag:s4], $0x4000  }
0x1c2: {  	[sflag:s4] =	ssyncset.done $0x0  }
0x1c3: {  	s5 =	simm.s32 $0x830;
	[sflag:s4] =	ssyncadd.s32 $0xFFFFC000  }
0x1c4: {  	v0 =	vld [tilespmem:s5+$0x0];
	_ =	sdelay $0x3  }
0x1c5: {  	v1 =	vld [tilespmem:s5+$0xFFFFFFD0]  }
0x1c6: {  	v2 =	vld [tilespmem:s5+$0xFFFFFFE0];
	v3 =	vshll.u32 v0, $0x3  }
0x1c7: {  	v0 =	vand.u32 $0x7F, v0;
	v3 =	vand.u32 $0xFFFFFC00, v3  }
0x1c8: {  	v3 =	vor.u32 v0, v3;
	v0 =	vld [tilespmem:s5+$0xFFFFFFF0];
	_ =	sdelay $0x1  }
0x1c9: {  	v4 =	vshll.u32 v1, $0x3  }
0x1ca: {  	v5 =	vshll.u32 v2, $0x3;
	v1 =	vand.u32 $0x7F, v1;
	v4 =	vand.u32 $0xFFFFFC00, v4  }
0x1cb: {  	v6 =	vand.u32 $0x7F, v2;
	v5 =	vand.u32 $0xFFFFFC00, v5;
	v2 =	vor.u32 v1, v4  }
0x1cc: {  	v1 =	vor.u32 v6, v5;
	v5 =	vld.idx.msk [tilespmem:v3+s14+$0x0], $0xffff;
	v4 =	vshll.u32 v0, $0x3  }
0x1cd: {  	s6 =	simm.s32 $0x4000;
	v6 =	vor.u32 $0x80, v3;
	v0 =	vand.u32 $0x7F, v0;
	v4 =	vand.u32 $0xFFFFFC00, v4  }
0x1ce: {  	s7 =	simm.s32 $0x830;
	s6 =	sand.u32 $0x7C00, s6;
	v4 =	vor.u32 v0, v4  }
0x1cf: {  	s8 =	sadd.s32 $0x11000, s6;
	s4 =	sand.u32 $0x70, s7  }
0x1d0: {  	s0 =	sor.u32 s4, s8;
	v0 =	vld.idx.msk [tilespmem:v2+s14+$0x0], $0xffff  }
0x1d1: {  	v7 =	vor.u32 $0x80, v2;
	v8 =	vld.idx.msk [tilespmem:v1+s14+$0x0], $0xffff;
	[tilespmem:s0+$0x0] =	vst v5  }
0x1d2: {  	s9 =	simm.s32 $0x800;
	v5 =	vor.u32 $0x80, v1;
	v6 =	vld.idx.msk [tilespmem:v6+s14+$0x0], $0xffff  }
0x1d3: {  	s10 =	simm.s32 $0x810;
	s2 =	sand.u32 $0x40, s9;
	v9 =	vor.u32 $0x100, v3;
	v10 =	vld.idx.msk [tilespmem:v4+s14+$0x0], $0xffff  }
0x1d4: {  	s1 =	sand.u32 $0x50, s10;
	s11 =	sor.u32 s2, s8;
	v11 =	vor.u32 $0x80, v4  }
0x1d5: {  	s16 =	simm.s32 $0x820;
	s15 =	sadd.s32 $0x11080, s6;
	s12 =	sor.u32 s1, s8;
	[tilespmem:s11+$0x0] =	vst v0  }
0x1d6: {  	s7 =	sand.u32 $0x60, s16;
	s17 =	sor.u32 s4, s15;
	[tilespmem:s12+$0x0] =	vst v8;
	v0 =	vld.idx.msk [tilespmem:v7+s14+$0x0], $0xffff  }
0x1d7: {  	s3 =	sor.u32 s7, s8;
	v7 =	vor.u32 $0x100, v2;
	v5 =	vld.idx.msk [tilespmem:v5+s14+$0x0], $0xffff;
	[tilespmem:s17+$0x0] =	vst v6  }
0x1d8: {  	v6 =	vor.u32 $0x100, v1;
	v8 =	vld.idx.msk [tilespmem:v9+s14+$0x0], $0xffff;
	[tilespmem:s3+$0x0] =	vst v10  }
0x1d9: {  	v10 =	vld.idx.msk [tilespmem:v11+s14+$0x0], $0xffff  }
0x1da: {  	s24 =	simm.s32 $0x870;
	s18 =	sor.u32 s2, s15;
	v9 =	vor.u32 $0x180, v3  }
0x1db: {  	s20 =	sadd.s32 $0x11100, s6;
	s19 =	sor.u32 s1, s15;
	v13 =	vld [tilespmem:s24+$0xFFFFFFE0];
	[tilespmem:s18+$0x0] =	vst v0  }
0x1dc: {  	s23 =	sor.u32 s4, s20;
	v11 =	vor.u32 $0x100, v4;
	v0 =	vld.idx.msk [tilespmem:v7+s14+$0x0], $0xffff;
	[tilespmem:s19+$0x0] =	vst v5  }
0x1dd: {  	s0 =	sor.u32 s7, s15;
	v5 =	vld.idx.msk [tilespmem:v6+s14+$0x0], $0xffff;
	[tilespmem:s23+$0x0] =	vst v8  }
0x1de: {  	v8 =	vld [tilespmem:s24+$0x0];
	[tilespmem:s0+$0x0] =	vst v10;
	v10 =	vor.u32 $0x180, v2  }
0x1df: {  	v12 =	vor.u32 $0x180, v1;
	v6 =	vld.idx.msk [tilespmem:v9+s14+$0x0], $0xffff  }
0x1e0: {  	v14 =	vld [tilespmem:s24+$0xFFFFFFF0];
	v7 =	vor.u32 $0x200, v3  }
0x1e1: {  	s30 =	sor.u32 s2, s20;
	v9 =	vld.idx.msk [tilespmem:v11+s14+$0x0], $0xffff  }
0x1e2: {  	s25 =	sadd.s32 $0x11180, s6;
	s31 =	sor.u32 s1, s20;
	v11 =	vld [tilespmem:s24+$0xFFFFFFD0];
	[tilespmem:s30+$0x0] =	vst v0  }
0x1e3: {  	s26 =	sor.u32 s4, s25;
	[tilespmem:s31+$0x0] =	vst v5;
	v15 =	vshll.u32 v8, $0x3;
	v5 =	vld.idx.msk [tilespmem:v10+s14+$0x0], $0xffff  }
0x1e4: {  	v8 =	vand.u32 $0x7F, v8;
	[tilespmem:s26+$0x0] =	vst v6;
	v6 =	vor.u32 $0x180, v4;
	v0 =	vand.u32 $0xFFFFFC00, v15;
	v10 =	vld.idx.msk [tilespmem:v12+s14+$0x0], $0xffff  }
0x1e5: {  	v7 =	vld.idx.msk [tilespmem:v7+s14+$0x0], $0xffff;
	v0 =	vor.u32 v8, v0  }
0x1e6: {  	v17 =	vshll.u32 v13, $0x3;
	s3 =	sor.u32 s7, s20;
	v8 =	vor.u32 $0x200, v1  }
0x1e7: {  	s10 =	sor.u32 s2, s25;
	v13 =	vand.u32 $0x7F, v13;
	v15 =	vor.u32 $0x280, v3;
	v12 =	vshll.u32 v11, $0x3;
	[tilespmem:s3+$0x0] =	vst v9  }
0x1e8: {  	s8 =	sadd.s32 $0x11200, s6;
	v16 =	vor.u32 $0x200, v2;
	s11 =	sor.u32 s1, s25;
	v11 =	vand.u32 $0x7F, v11;
	v9 =	vand.u32 $0xFFFFFC00, v12;
	[tilespmem:s10+$0x0] =	vst v5  }
0x1e9: {  	s9 =	sor.u32 s4, s8;
	v12 =	vand.u32 $0xFFFFFC00, v17;
	v17 =	vshll.u32 v14, $0x3;
	v21 =	vor.u32 v11, v9;
	v6 =	vld.idx.msk [tilespmem:v6+s14+$0x0], $0xffff;
	[tilespmem:s11+$0x0] =	vst v10  }
0x1ea: {  	v13 =	vor.u32 v13, v12;
	v9 =	vand.u32 $0x7F, v14;
	[tilespmem:s9+$0x0] =	vst v7;
	v7 =	vand.u32 $0xFFFFFC00, v17;
	v5 =	vld.idx.msk [tilespmem:v0+s14+$0x0], $0xffff  }
0x1eb: {  	v8 =	vld.idx.msk [tilespmem:v8+s14+$0x0], $0xffff;
	v25 =	vor.u32 v9, v7  }
0x1ec: {  	s0 =	simm.s32 $0x4200;
	v10 =	vor.u32 $0x80, v0;
	v11 =	vld.idx.msk [tilespmem:v15+s14+$0x0], $0xffff  }
0x1ed: {  	s15 =	simm.s32 $0x870;
	s24 =	sand.u32 $0x7C00, s0;
	v7 =	vld.idx.msk [tilespmem:v16+s14+$0x0], $0xffff;
	v9 =	vor.u32 $0x300, v3  }
0x1ee: {  	s12 =	sor.u32 s7, s25;
	s16 =	sadd.s32 $0x11000, s24;
	s26 =	sand.u32 $0x70, s15;
	v12 =	vor.u32 $0x200, v4;
	v14 =	vld.idx.msk [tilespmem:v21+s14+$0x0], $0xffff  }
0x1ef: {  	s5 =	sadd.s32 $0x11280, s6;
	s9 =	sor.u32 s26, s16;
	v15 =	vor.u32 $0x280, v2;
	[tilespmem:s12+$0x0] =	vst v6;
	v6 =	vld.idx.msk [tilespmem:v13+s14+$0x0], $0xffff  }
0x1f0: {  	s17 =	sor.u32 s4, s5;
	v16 =	vor.u32 $0x80, v21;
	[tilespmem:s9+$0x0] =	vst v5;
	v17 =	vld.idx.msk [tilespmem:v25+s14+$0x0], $0xffff  }
0x1f1: {  	s19 =	sor.u32 s1, s8;
	s3 =	simm.s32 $0x840;
	[tilespmem:s17+$0x0] =	vst v11;
	v11 =	vor.u32 $0x80, v13;
	v10 =	vld.idx.msk [tilespmem:v10+s14+$0x0], $0xffff  }
0x1f2: {  	s18 =	sor.u32 s2, s8;
	s29 =	sand.u32 $0x40, s3;
	s12 =	simm.s32 $0x850;
	[tilespmem:s19+$0x0] =	vst v8;
	v5 =	vld.idx.msk [tilespmem:v9+s14+$0x0], $0xffff;
	v9 =	vor.u32 $0x80, v25  }
0x1f3: {  	s20 =	simm.s32 $0x860;
	s23 =	sor.u32 s29, s16;
	s25 =	sand.u32 $0x50, s12;
	v8 =	vor.u32 $0x100, v0;
	[tilespmem:s18+$0x0] =	vst v7;
	v7 =	vld.idx.msk [tilespmem:v12+s14+$0x0], $0xffff  }
0x1f4: {  	s28 =	sand.u32 $0x60, s20;
	s30 =	sor.u32 s25, s16;
	[tilespmem:s23+$0x0] =	vst v14;
	v12 =	vld.idx.msk [tilespmem:v15+s14+$0x0], $0xffff;
	v14 =	vor.u32 $0x280, v1  }
0x1f5: {  	s10 =	sor.u32 s28, s16;
	v3 =	vor.u32 $0x380, v3;
	s12 =	sadd.s32 $0x11080, s24;
	v15 =	vld.idx.msk [tilespmem:v16+s14+$0x0], $0xffff;
	[tilespmem:s30+$0x0] =	vst v6  }
0x1f6: {  	s31 =	sadd.s32 $0x11300, s6;
	s16 =	sor.u32 s26, s12;
	v6 =	vor.u32 $0x280, v4;
	v11 =	vld.idx.msk [tilespmem:v11+s14+$0x0], $0xffff;
	[tilespmem:s10+$0x0] =	vst v17  }
0x1f7: {  	s15 =	sor.u32 s4, s31;
	v16 =	vor.u32 $0x100, v21;
	[tilespmem:s16+$0x0] =	vst v10;
	v9 =	vld.idx.msk [tilespmem:v9+s14+$0x0], $0xffff  }
0x1f8: {  	s8 =	sor.u32 s7, s8;
	[tilespmem:s15+$0x0] =	vst v5;
	v5 =	vor.u32 $0x100, v13;
	v8 =	vld.idx.msk [tilespmem:v8+s14+$0x0], $0xffff  }
0x1f9: {  	v19 =	vor.u32 $0x100, v25;
	s17 =	sor.u32 s2, s5;
	[tilespmem:s8+$0x0] =	vst v7;
	v14 =	vld.idx.msk [tilespmem:v14+s14+$0x0], $0xffff  }
0x1fa: {  	v22 =	vor.u32 $0x300, v2;
	s18 =	sor.u32 s29, s12;
	[tilespmem:s17+$0x0] =	vst v12;
	v10 =	vld.idx.msk [tilespmem:v3+s14+$0x0], $0xffff  }
0x1fb: {  	s19 =	sor.u32 s25, s12;
	[tilespmem:s18+$0x0] =	vst v15;
	v15 =	vor.u32 $0x180, v0;
	v26 =	vld.idx.msk [tilespmem:v6+s14+$0x0], $0xffff  }
0x1fc: {  	v27 =	vor.u32 $0x300, v1;
	v28 =	vor.u32 $0x300, v4;
	v18 =	vor.u32 $0x180, v13;
	s9 =	sor.u32 s28, s12;
	s15 =	sadd.s32 $0x11100, s24;
	v29 =	vld.idx.msk [tilespmem:v16+s14+$0x0], $0xffff;
	[tilespmem:s19+$0x0] =	vst v11  }
0x1fd: {  	v1 =	vor.u32 $0x380, v1;
	v17 =	vor.u32 $0x180, v25;
	v7 =	vor.u32 $0x280, v21;
	s23 =	sor.u32 s26, s15;
	v20 =	vld.idx.msk [tilespmem:v5+s14+$0x0], $0xffff;
	[tilespmem:s9+$0x0] =	vst v9  }
0x1fe: {  	s20 =	sadd.s32 $0x11380, s6;
	s30 =	sor.u32 s1, s5;
	v12 =	vor.u32 $0x200, v21;
	v3 =	vor.u32 $0x380, v2;
	v2 =	vor.u32 $0x380, v4;
	[tilespmem:s23+$0x0] =	vst v8;
	v23 =	vld.idx.msk [tilespmem:v19+s14+$0x0], $0xffff  }
0x1ff: {  	s6 =	sor.u32 s2, s20;
	s4 =	sor.u32 s4, s20;
	s5 =	sor.u32 s7, s5;
	v4 =	vor.u32 $0x300, v25;
	v16 =	vor.u32 $0x180, v21;
	v6 =	vor.u32 $0x300, v13;
	[tilespmem:s30+$0x0] =	vst v14;
	v19 =	vld.idx.msk [tilespmem:v22+s14+$0x0], $0xffff  }
0x200: {  	s10 =	sor.u32 s1, s31;
	s8 =	sor.u32 s7, s31;
	s18 =	sor.u32 s25, s15;
	v11 =	vor.u32 $0x200, v13;
	v9 =	vor.u32 $0x280, v13;
	v8 =	vor.u32 $0x280, v25;
	[tilespmem:s4+$0x0] =	vst v10;
	v24 =	vld.idx.msk [tilespmem:v15+s14+$0x0], $0xffff  }
0x201: {  	s9 =	sor.u32 s2, s31;
	v5 =	vor.u32 $0x300, v21;
	s2 =	sor.u32 s7, s20;
	s31 =	sor.u32 s29, s15;
	v14 =	vor.u32 $0x380, v13;
	v13 =	vor.u32 $0x380, v25;
	v22 =	vld.idx.msk [tilespmem:v27+s14+$0x0], $0xffff;
	[tilespmem:s5+$0x0] =	vst v26  }
0x202: {  	s15 =	sor.u32 s28, s15;
	v10 =	vor.u32 $0x200, v25;
	v15 =	vor.u32 $0x380, v21;
	s4 =	sor.u32 s1, s20;
	v25 =	vor.u32 $0x200, v0;
	s1 =	simm.s32 $0x8B0;
	[tilespmem:s31+$0x0] =	vst v29;
	v21 =	vld.idx.msk [tilespmem:v28+s14+$0x0], $0xffff  }
.LBB2_9:
0x203: {  	v26 =	vld [tilespmem:s1+$0x0];
	[tilespmem:s18+$0x0] =	vst v20;
	s5 =	smov.u32 s3  }
0x204: {  	s7 =	sadd.s32 $0x11180, s24;
	v20 =	vld [tilespmem:s1+$0xFFFFFFD0];
	[tilespmem:s15+$0x0] =	vst v23  }
0x205: {  	s12 =	sor.u32 s29, s7;
	s16 =	sor.u32 s25, s7;
	s15 =	sor.u32 s26, s7;
	v23 =	vld [tilespmem:s1+$0xFFFFFFE0];
	[tilespmem:s9+$0x0] =	vst v19  }
0x206: {  	s11 =	sor.u32 s28, s7;
	v19 =	vld [tilespmem:s1+$0xFFFFFFF0];
	[tilespmem:s15+$0x0] =	vst v24  }
0x207: {  	v24 =	vld.idx.msk [tilespmem:v25+s14+$0x0], $0xffff;
	[tilespmem:s10+$0x0] =	vst v22  }
0x208: {  	v22 =	vshll.u32 v26, $0x3;
	v16 =	vld.idx.msk [tilespmem:v16+s14+$0x0], $0xffff;
	[tilespmem:s8+$0x0] =	vst v21  }
0x209: {  	v25 =	vor.u32 $0x280, v0;
	v21 =	vand.u32 $0xFFFFFC00, v22;
	v22 =	vand.u32 $0x7F, v26;
	v18 =	vld.idx.msk [tilespmem:v18+s14+$0x0], $0xffff  }
0x20a: {  	v26 =	vshll.u32 v20, $0x3;
	v27 =	vshll.u32 v23, $0x3;
	v21 =	vor.u32 v22, v21;
	v17 =	vld.idx.msk [tilespmem:v17+s14+$0x0], $0xffff  }
0x20b: {  	s7 =	sadd.s32 $0x11200, s24;
	v22 =	vand.u32 $0xFFFFFC00, v26;
	v26 =	vand.u32 $0xFFFFFC00, v27;
	v27 =	vshll.u32 v19, $0x3;
	v28 =	vld.idx.msk [tilespmem:v3+s14+$0x0], $0xffff;
	v3 =	vmovc v15  }
0x20c: {  	s9 =	sor.u32 s29, s7;
	s10 =	sor.u32 s26, s7;
	s8 =	sor.u32 s25, s7;
	v15 =	vand.u32 $0x7F, v20;
	v20 =	vand.u32 $0x7F, v23;
	v23 =	vand.u32 $0xFFFFFC00, v27;
	v27 =	vld.idx.msk [tilespmem:v1+s14+$0x0], $0xffff;
	v1 =	vmovc v14  }
0x20d: {  	s15 =	sor.u32 s28, s7;
	v14 =	vor.u32 v15, v22;
	v20 =	vor.u32 v20, v26;
	v15 =	vand.u32 $0x7F, v19;
	[tilespmem:s10+$0x0] =	vst v24;
	v19 =	vld.idx.msk [tilespmem:v2+s14+$0x0], $0xffff  }
0x20e: {  	v22 =	vor.u32 $0x80, v14;
	v24 =	vor.u32 $0x80, v20;
	v23 =	vor.u32 v15, v23;
	v2 =	vmovc v13;
	[tilespmem:s12+$0x0] =	vst v16;
	v15 =	vld.idx.msk [tilespmem:v25+s14+$0x0], $0xffff  }
0x20f: {  	s3 =	sadd.s32 $0x40, s3;
	v26 =	vor.u32 $0x100, v20;
	v25 =	vor.u32 $0x100, v14;
	v29 =	vor.u32 $0x80, v23;
	v30 =	vld.idx.msk [tilespmem:v21+s14+$0x0], $0xffff;
	[tilespmem:s16+$0x0] =	vst v18  }
0x210: {  	v33 =	vor.u32 $0x300, v0;
	s7 =	sand.u32 $0x40, s3;
	s10 =	sadd.s32 $0x50, s5;
	v16 =	vor.u32 $0x180, v14;
	s12 =	sadd.s32 $0x60, s5;
	v31 =	vor.u32 $0x100, v23;
	v32 =	vld.idx.msk [tilespmem:v12+s14+$0x0], $0xffff;
	[tilespmem:s11+$0x0] =	vst v17  }
0x211: {  	s0 =	sadd.s32 $0x200, s0;
	v34 =	vor.u32 $0x80, v21;
	v18 =	vor.u32 $0x180, v20;
	s12 =	sand.u32 $0x60, s12;
	s11 =	sand.u32 $0x50, s10;
	v17 =	vor.u32 $0x180, v23;
	v35 =	vld.idx.msk [tilespmem:v11+s14+$0x0], $0xffff;
	[tilespmem:s6+$0x0] =	vst v28  }
0x212: {  	v36 =	vor.u32 $0x200, v23;
	s5 =	sadd.s32 $0x70, s5;
	v12 =	vor.u32 $0x200, v14;
	s10 =	sadd.s32 $0x11280, s24;
	s6 =	sand.u32 $0x7C00, s0;
	v11 =	vor.u32 $0x200, v20;
	v28 =	vld.idx.msk [tilespmem:v14+s14+$0x0], $0xffff;
	[tilespmem:s4+$0x0] =	vst v27  }
0x213: {  	v38 =	vor.u32 $0x280, v20;
	v39 =	vor.u32 $0x280, v23;
	s16 =	sand.u32 $0x70, s5;
	s5 =	sor.u32 s26, s10;
	s4 =	sadd.s32 $0x11000, s6;
	v27 =	vor.u32 $0x280, v14;
	v37 =	vld.idx.msk [tilespmem:v20+s14+$0x0], $0xffff;
	[tilespmem:s2+$0x0] =	vst v19  }
0x214: {  	v40 =	vor.u32 $0x300, v14;
	v41 =	vor.u32 $0x300, v20;
	v42 =	vor.u32 $0x300, v23;
	s2 =	sor.u32 s7, s4;
	s18 =	sor.u32 s11, s4;
	s17 =	sor.u32 s16, s4;
	v19 =	vld.idx.msk [tilespmem:v23+s14+$0x0], $0xffff;
	[tilespmem:s5+$0x0] =	vst v15  }
0x215: {  	v13 =	vor.u32 $0x380, v23;
	s19 =	sor.u32 s29, s10;
	s4 =	sor.u32 s12, s4;
	v15 =	vor.u32 $0x380, v14;
	v14 =	vor.u32 $0x380, v20;
	s5 =	sor.u32 s25, s10;
	[tilespmem:s17+$0x0] =	vst v30;
	v20 =	vld.idx.msk [tilespmem:v33+s14+$0x0], $0xffff  }
0x216: {  	p0 =	slt.u32 s3, $0xFC0;
	s17 =	sor.u32 s28, s10;
	v23 =	vld.idx.msk [tilespmem:v34+s14+$0x0], $0xffff;
	[tilespmem:s9+$0x0] =	vst v32  }
0x217: {  	v32 =	vor.u32 $0x380, v0;
	v0 =	vmov v21;
	[tilespmem:s8+$0x0] =	vst v35;
	v30 =	vld.idx.msk [tilespmem:v10+s14+$0x0], $0xffff;
	v10 =	vmov v36  }
0x218: {  	v21 =	vor.u32 $0x100, v0;
	[tilespmem:s2+$0x0] =	vst v28;
	v28 =	vld.idx.msk [tilespmem:v7+s14+$0x0], $0xffff;
	v7 =	vmov v27  }
0x219: {  	s2 =	sadd.s32 $0x11300, s24;
	v22 =	vld.idx.msk [tilespmem:v22+s14+$0x0], $0xffff;
	[tilespmem:s18+$0x0] =	vst v37  }
0x21a: {  	s8 =	sadd.s32 $0x11080, s6;
	s9 =	sor.u32 s29, s2;
	v24 =	vld.idx.msk [tilespmem:v24+s14+$0x0], $0xffff;
	[tilespmem:s4+$0x0] =	vst v19;
	s4 =	sor.u32 s26, s2  }
0x21b: {  	s20 =	sor.u32 s11, s8;
	s10 =	sor.u32 s16, s8;
	s18 =	sor.u32 s7, s8;
	v19 =	vld.idx.msk [tilespmem:v29+s14+$0x0], $0xffff;
	[tilespmem:s4+$0x0] =	vst v20  }
0x21c: {  	s4 =	sor.u32 s12, s8;
	s8 =	sor.u32 s28, s2;
	[tilespmem:s10+$0x0] =	vst v23;
	s10 =	sor.u32 s25, s2;
	v27 =	vld.idx.msk [tilespmem:v32+s14+$0x0], $0xffff  }
0x21d: {  	v21 =	vld.idx.msk [tilespmem:v21+s14+$0x0], $0xffff;
	[tilespmem:s15+$0x0] =	vst v30  }
0x21e: {  	[tilespmem:s19+$0x0] =	vst v28;
	v28 =	vld.idx.msk [tilespmem:v9+s14+$0x0], $0xffff;
	v9 =	vmov v38  }
0x21f: {  	s2 =	sadd.s32 $0x11380, s24;
	s24 =	smov.u32 s6;
	[tilespmem:s18+$0x0] =	vst v22;
	v22 =	vor.u32 $0x180, v0;
	v29 =	vld.idx.msk [tilespmem:v8+s14+$0x0], $0xffff;
	v8 =	vmov v39  }
0x220: {  	s15 =	sadd.s32 $0x11100, s24;
	v25 =	vld.idx.msk [tilespmem:v25+s14+$0x0], $0xffff;
	[tilespmem:s20+$0x0] =	vst v24  }
0x221: {  	s6 =	sor.u32 s29, s2;
	s19 =	sor.u32 s7, s15;
	v20 =	vld.idx.msk [tilespmem:v26+s14+$0x0], $0xffff;
	[tilespmem:s4+$0x0] =	vst v19;
	s4 =	sor.u32 s26, s2  }
.Ltmp3:
0x222: {  	s18 =	sor.u32 s11, s15;
	s20 =	sor.u32 s16, s15;
	v23 =	vld.idx.msk [tilespmem:v31+s14+$0x0], $0xffff;
	[tilespmem:s4+$0x0] =	vst v27;
	(pc) =	sbr.rel @p0 .LBB2_9-.Ltmp3, $4  }
0x223: {  	s15 =	sor.u32 s12, s15;
	s4 =	sor.u32 s25, s2;
	s2 =	sor.u32 s28, s2;
	[tilespmem:s20+$0x0] =	vst v21;
	v19 =	vld.idx.msk [tilespmem:v5+s14+$0x0], $0xffff;
	v5 =	vmov v40  }
0x224: {  	s29 =	smov.u32 s7;
	s25 =	smov.u32 s11;
	s28 =	smov.u32 s12;
	v24 =	vld.idx.msk [tilespmem:v22+s14+$0x0], $0xffff;
	[tilespmem:s5+$0x0] =	vst v28  }
0x225: {  	s26 =	smov.u32 s16;
	v22 =	vld.idx.msk [tilespmem:v6+s14+$0x0], $0xffff;
	[tilespmem:s17+$0x0] =	vst v29;
	v6 =	vmov v41  }
0x226: {  	s1 =	sadd.s32 $0x40, s1;
	[tilespmem:s19+$0x0] =	vst v25;
	v25 =	vor.u32 $0x200, v0;
	v21 =	vld.idx.msk [tilespmem:v4+s14+$0x0], $0xffff;
	v4 =	vmov v42  }
0x227: {  	_ =	sdelay $0x3  }
0x228: {  	[tilespmem:s18+$0x0] =	vst v20;
	v16 =	vld.idx.msk [tilespmem:v16+s14+$0x0], $0xffff  }
0x229: {  	[tilespmem:s15+$0x0] =	vst v23;
	v18 =	vld.idx.msk [tilespmem:v18+s14+$0x0], $0xffff  }
0x22a: {  	s0 =	sadd.s32 $0x11180, s24;
	v17 =	vld.idx.msk [tilespmem:v17+s14+$0x0], $0xffff  }
0x22b: {  	s1 =	sor.u32 s26, s0  }
0x22c: {  	s3 =	sor.u32 s29, s0;
	[tilespmem:s1+$0x0] =	vst v24  }
0x22d: {  	s30 =	sor.u32 s25, s0;
	v56 =	vld.idx.msk [tilespmem:v25+s14+$0x0], $0xffff;
	[tilespmem:s3+$0x0] =	vst v16  }
0x22e: {  	v57 =	vor.u32 $0x280, v0;
	s0 =	sor.u32 s28, s0;
	[tilespmem:s30+$0x0] =	vst v18;
	v12 =	vld.idx.msk [tilespmem:v12+s14+$0x0], $0xffff  }
0x22f: {  	[tilespmem:s0+$0x0] =	vst v17;
	v11 =	vld.idx.msk [tilespmem:v11+s14+$0x0], $0xffff  }
0x230: {  	s31 =	sadd.s32 $0x11200, s24;
	v10 =	vld.idx.msk [tilespmem:v10+s14+$0x0], $0xffff  }
0x231: {  	s3 =	sor.u32 s26, s31  }
0x232: {  	s5 =	sor.u32 s29, s31;
	[tilespmem:s3+$0x0] =	vst v56  }
0x233: {  	s7 =	sor.u32 s25, s31;
	v16 =	vld.idx.msk [tilespmem:v57+s14+$0x0], $0xffff;
	[tilespmem:s5+$0x0] =	vst v12  }
0x234: {  	v58 =	vor.u32 $0x300, v0;
	s0 =	sor.u32 s28, s31;
	[tilespmem:s7+$0x0] =	vst v11;
	v7 =	vld.idx.msk [tilespmem:v7+s14+$0x0], $0xffff  }
0x235: {  	[tilespmem:s0+$0x0] =	vst v10;
	v9 =	vld.idx.msk [tilespmem:v9+s14+$0x0], $0xffff  }
0x236: {  	s11 =	sadd.s32 $0x11280, s24;
	[tilespmem:s9+$0x0] =	vst v19;
	v8 =	vld.idx.msk [tilespmem:v8+s14+$0x0], $0xffff  }
0x237: {  	s12 =	sor.u32 s26, s11;
	[tilespmem:s10+$0x0] =	vst v22  }
0x238: {  	s15 =	sor.u32 s29, s11;
	v3 =	vld.idx.msk [tilespmem:v3+s14+$0x0], $0xffff;
	[tilespmem:s12+$0x0] =	vst v16  }
0x239: {  	s16 =	sor.u32 s25, s11;
	v59 =	vld.idx.msk [tilespmem:v58+s14+$0x0], $0xffff;
	[tilespmem:s15+$0x0] =	vst v7  }
0x23a: {  	v60 =	vor.u32 $0x380, v0;
	s0 =	sor.u32 s28, s11;
	v5 =	vld.idx.msk [tilespmem:v5+s14+$0x0], $0xffff;
	[tilespmem:s16+$0x0] =	vst v9  }
0x23b: {  	[tilespmem:s0+$0x0] =	vst v8;
	v6 =	vld.idx.msk [tilespmem:v6+s14+$0x0], $0xffff  }
0x23c: {  	s17 =	sadd.s32 $0x11300, s24;
	[tilespmem:s8+$0x0] =	vst v21;
	v4 =	vld.idx.msk [tilespmem:v4+s14+$0x0], $0xffff  }
0x23d: {  	s18 =	sor.u32 s26, s17;
	v1 =	vld.idx.msk [tilespmem:v1+s14+$0x0], $0xffff;
	[tilespmem:s6+$0x0] =	vst v3  }
0x23e: {  	s19 =	sor.u32 s29, s17;
	v2 =	vld.idx.msk [tilespmem:v2+s14+$0x0], $0xffff;
	[tilespmem:s18+$0x0] =	vst v59  }
0x23f: {  	s20 =	sor.u32 s25, s17;
	v0 =	vld.idx.msk [tilespmem:v60+s14+$0x0], $0xffff;
	[tilespmem:s19+$0x0] =	vst v5  }
0x240: {  	s0 =	sor.u32 s28, s17;
	[tilespmem:s20+$0x0] =	vst v6;
	v61 =	vld.idx.msk [tilespmem:v15+s14+$0x0], $0xffff  }
0x241: {  	[tilespmem:s0+$0x0] =	vst v4;
	v62 =	vld.idx.msk [tilespmem:v14+s14+$0x0], $0xffff  }
0x242: {  	s23 =	sadd.s32 $0x11380, s24;
	[tilespmem:s4+$0x0] =	vst v1;
	v63 =	vld.idx.msk [tilespmem:v13+s14+$0x0], $0xffff  }
0x243: {  	s24 =	sor.u32 s26, s23;
	[tilespmem:s2+$0x0] =	vst v2  }
0x244: {  	s26 =	sor.u32 s29, s23;
	[tilespmem:s24+$0x0] =	vst v0  }
0x245: {  	s29 =	sor.u32 s25, s23;
	[tilespmem:s26+$0x0] =	vst v61  }
0x246: {  	s0 =	sor.u32 s28, s23;
	[tilespmem:s29+$0x0] =	vst v62  }
0x247: {  	[tilespmem:s0+$0x0] =	vst v63  }
0x248: {  	s31 =	rddreg [dreg:$0xe]  }
0x249: {  	s1 =	sadd.s32 $0x1, s31  }
0x24a: {  	p0 =	sne.s32 s1, $0x20  }
.Ltmp4:
0x24b: {  	_ = 	snop;
	(pc) =	sbr.rel @p0 .LBB2_2-.Ltmp4, $4  }
0x24c: {  	_ = 	snop  }
0x24d: {  	s0 =	rddreg [dreg:$0xa]  }
0x24e: {  	s30 =	simm.s32 $0x15000;
	s0 =	sadd.s32 s22, s0  }
0x24f: {  	[hbm4b:s0+s21] =	stream.linear.scatter [tilespmem:s30], [sflag:$0x4], $0x4000, $0x38;
	[tilespmem:$0x19000] =	vst v63  }
0x250: {  	s0 =	simm.s32 $0x3  }
0x251: {  	_ =	swait.ge [sflag:s0], $0x4000  }
0x252: {  	[sflag:s0] =	ssyncset.done $0x0  }
0x253: {  	s1 =	simm.s32 $0x4;
	[sflag:s0] =	ssyncadd.s32 $0xFFFFC000  }
0x254: {  	_ =	swait.ge [sflag:s1], $0x4000  }
0x255: {  	s2 =	rddreg [dreg:$0xd]  }
0x256: {  	s31 =	rddreg [dreg:$0xc];
	s2 =	sadd.s32 $0x1, s2  }
0x257: {  	p0 =	sne.s32 s2, s31  }
.Ltmp5:
0x258: {  	_ = 	snop;
	(pc) =	sbr.rel @p0 .LBB2_1-.Ltmp5, $3  }
0x259: {  	_ =	sdelay $0x1  }
0x25a: {  	[sflag:s1] =	ssyncset.done $0x0  }
0x25b: {  	[sflag:s1] =	ssyncadd.s32 $0xFFFFC000  }
0x25c: {  	_ =	sfence.sel $0x180000  }
0x25d: {  	[bflag:$0x0] =	sbarrier.arrive $0xFFFF  }
0x25e: {  	_ =	strace $0x90000047  }
0x25f: {  	s0 =	stileid.u32;
	[bflag:$0x2] =	sbarrier.arrive $0xFFFF  }
0x260: {  	p0 =	sne.s32 s0, $0x0;
	s0 =	rddreg [dreg:$0x3]  }
0x261: {  	s0 =	sadd.s32 @!p0 $0x100000, s0  }
0x262: {  	[sflag:s0] =	ssyncadd.tile.s32 @!p0 $0x1;
	_ =	shalt  }
.Lfunc_end2:
_tile_overlayer_lowered:
.L_overlay_start_2:
0x263: {  	(tag) =	ssettag $0x2  }
0x264: {  	s0 =	rddreg [dreg:$0x0];
	s2 =	stileid.u32  }
0x265: {  	s1 =	rddreg [dreg:$0x1];
	p0 =	sne.s32 s2, $0x0  }
0x266: {  	s3 =	rddreg [dreg:$0x2];
	[bflag:$0x3] =	sbarrier.arrive $0xFFFF;
	s2 =	simm.s32 @!p0 $0x1C05  }
0x267: {  	[timem:s3], [sflag:s2] =	dma.local @!p0 [hbm:s0], s1  }
0x268: {  	s0 =	simm.s32 @!p0 $0x5  }
0x269: {  	_ =	swait.ge @!p0 [sflag:s0], s1  }
0x26a: {  	s1 =	ssub.s32 @!p0 $0x0, s1;
	[sflag:s0] =	ssyncset.done @!p0 $0x0  }
0x26b: {  	[sflag:s0] =	ssyncadd.s32 @!p0 s1  }
0x26c: {  	[bflag:$0x3] =	sbarrier.arrive $0xFFFF  }
0x26d: {  	_ =	shalt  }

</sc_bundles>
